<compile_context>
chip_gen: v7x
topology: tpu7x:2x2x1
jax: 0.10.2.dev20260603
libtpu: 0.0.44.dev20260713+nightly
codegen_flags: <defaults>
</compile_context>

<pallas_src>
import functools

import jax
import jax.numpy as jnp
from jax import lax
from jax.experimental import pallas as pl
from jax.experimental.pallas import tpu as pltpu
from jax.experimental.pallas import tpu_sc as plsc

N = 10000
E = 320000
D = 128
DE = 16

NC = 2
NS = 16
NW = NC * NS
CH = 128
JPW = 80
EPW = CH * JPW
E_PAD = NW * EPW
N_PAD = 10240
RPS = N_PAD // NS
RW = D

BLK = 2048
NB = E_PAD // BLK

_f32 = jnp.float32
_HI = lax.Precision.HIGHEST


def _stats_body(ea_ref, we1_ref, be1_ref, sy_ref, sy2_ref, sy_acc, sy2_acc):
    j = pl.program_id(0)

    @pl.when(j == 0)
    def _():
        sy_acc[...] = jnp.zeros_like(sy_acc)
        sy2_acc[...] = jnp.zeros_like(sy2_acc)

    a = ea_ref[...]
    y = jnp.dot(a, we1_ref[...], preferred_element_type=_f32) + be1_ref[...]
    rowid = j * BLK + lax.broadcasted_iota(jnp.int32, (BLK, 1), 0)
    y = jnp.where(rowid < E, y, 0.0)
    sy_acc[...] += jnp.sum(y, axis=0, keepdims=True)
    sy2_acc[...] += jnp.sum(y * y, axis=0, keepdims=True)

    @pl.when(j == NB - 1)
    def _():
        sy_ref[...] = sy_acc[...]
        sy2_ref[...] = sy2_acc[...]


def _edge_body(ea_ref, we1_ref, be1_ref, g1_ref, bt1_ref, we2_ref, be2_ref,
               sy_ref, sy2_ref, r_ref, m_scr, sv_scr):
    j = pl.program_id(0)

    @pl.when(j == 0)
    def _():
        m = sy_ref[...] / E
        var = sy2_ref[...] / E - m * m
        m_scr[...] = m
        sv_scr[...] = jnp.sqrt(var + 1e-5)

    a = ea_ref[...]
    y = jnp.dot(a, we1_ref[...], preferred_element_type=_f32) + be1_ref[...]
    rr = jnp.maximum((y - m_scr[...]) / sv_scr[...] * g1_ref[...]
                     + bt1_ref[...], 0.0)
    t = jnp.dot(rr, we2_ref[...], preferred_element_type=_f32) + be2_ref[...]
    rowid = j * BLK + lax.broadcasted_iota(jnp.int32, (BLK, 1), 0)
    r_ref[...] = jnp.where(rowid < E, t, 0.0)


def _combine_body(rp_ref, h_ref, out_ref):
    out_ref[...] = h_ref[...] + rp_ref[0] + rp_ref[1]


def _mlp_body(h2_ref, ap_ref, wm1_ref, bm1_ref, g2_ref, bt2_ref,
              wm2_ref, bm2_ref, g3_ref, bt3_ref, out_ref):
    pre = h2_ref[...] + ap_ref[0] + ap_ref[1]
    real = lax.broadcasted_iota(jnp.int32, (N_PAD, 1), 0) < N

    m1 = jnp.dot(pre, wm1_ref[...], preferred_element_type=_f32) + bm1_ref[...]
    s1 = jnp.sum(jnp.where(real, m1, 0.0), axis=0, keepdims=True) / N
    d1 = jnp.where(real, m1 - s1, 0.0)
    v1 = jnp.sum(d1 * d1, axis=0, keepdims=True) / N
    m1 = jnp.maximum((m1 - s1) / jnp.sqrt(v1 + 1e-5) * g2_ref[...]
                     + bt2_ref[...], 0.0)
    m1 = jnp.where(real, m1, 0.0)

    m2 = jnp.dot(m1, wm2_ref[...], preferred_element_type=_f32) + bm2_ref[...]
    s2 = jnp.sum(jnp.where(real, m2, 0.0), axis=0, keepdims=True) / N
    d2 = jnp.where(real, m2 - s2, 0.0)
    v2 = jnp.sum(d2 * d2, axis=0, keepdims=True) / N
    m2 = jnp.maximum((m2 - s2) / jnp.sqrt(v2 + 1e-5) * g3_ref[...]
                     + bt3_ref[...], 0.0)
    out_ref[...] = m2[:N, :]


def kernel(h, edge_index, edge_attr, We1, be1, g1, bt1, We2, be2,
           Wm1, bm1, g2, bt2, Wm2, bm2, g3, bt3):
    src = edge_index[0]
    dst = edge_index[1]
    pad = E_PAD - E
    src_p = jnp.concatenate([src, jnp.full((pad,), N, jnp.int32)]
                            ).reshape(NW, JPW, CH)
    dst_p = jnp.concatenate([dst, jnp.zeros((pad,), jnp.int32)]
                            ).reshape(NW, JPW, CH)
    ea_p = jnp.concatenate([edge_attr, jnp.zeros((pad, DE), _f32)], axis=0)
    h_p = jnp.concatenate([h, jnp.zeros((N_PAD - N, D), _f32)], axis=0)
    z128 = jnp.zeros((N_PAD, D), _f32)
    row = lambda v: v.reshape(1, D)

    sy, sy2 = pl.pallas_call(
        _stats_body,
        grid=(NB,),
        in_specs=[pl.BlockSpec((BLK, DE), lambda j: (j, 0)),
                  pl.BlockSpec((DE, D), lambda j: (0, 0)),
                  pl.BlockSpec((1, D), lambda j: (0, 0))],
        out_specs=[pl.BlockSpec((1, D), lambda j: (0, 0)),
                   pl.BlockSpec((1, D), lambda j: (0, 0))],
        out_shape=[jax.ShapeDtypeStruct((1, D), _f32),
                   jax.ShapeDtypeStruct((1, D), _f32)],
        scratch_shapes=[pltpu.VMEM((1, D), _f32), pltpu.VMEM((1, D), _f32)],
    )(ea_p, We1, row(be1))

    r_full = pl.pallas_call(
        _edge_body,
        grid=(NB,),
        in_specs=[pl.BlockSpec((BLK, DE), lambda j: (j, 0)),
                  pl.BlockSpec((DE, D), lambda j: (0, 0)),
                  pl.BlockSpec((1, D), lambda j: (0, 0)),
                  pl.BlockSpec((1, D), lambda j: (0, 0)),
                  pl.BlockSpec((1, D), lambda j: (0, 0)),
                  pl.BlockSpec((D, D), lambda j: (0, 0)),
                  pl.BlockSpec((1, D), lambda j: (0, 0)),
                  pl.BlockSpec((1, D), lambda j: (0, 0)),
                  pl.BlockSpec((1, D), lambda j: (0, 0))],
        out_specs=pl.BlockSpec((BLK, RW), lambda j: (j, 0)),
        out_shape=jax.ShapeDtypeStruct((E_PAD, RW), _f32),
        scratch_shapes=[pltpu.VMEM((1, D), _f32), pltpu.VMEM((1, D), _f32)],
    )(ea_p, We1, row(be1), row(g1), row(bt1), We2, row(be2), sy, sy2)

    mesh = plsc.VectorSubcoreMesh(core_axis_name="c", subcore_axis_name="s",
                                  num_cores=NC, num_subcores=NS)

    @functools.partial(
        pl.kernel, mesh=mesh,
        out_type=jax.ShapeDtypeStruct((NC, N_PAD, RW), _f32),
        scratch_types=[pltpu.VMEM((JPW, CH), jnp.int32),
                       pltpu.VMEM((2, CH, RW), _f32),
                       pltpu.VMEM_SHARED((N_PAD, RW), _f32),
                       pltpu.SemaphoreType.DMA,
                       pltpu.SemaphoreType.DMA],
    )
    def scatter_r(r_hbm, dst_hbm, z_hbm, out_hbm, idx_v, rows_v, acc_sh,
                  sem0, sem1):
        c = lax.axis_index("c")
        s = lax.axis_index("s")
        w = s * NC + c
        base = w * EPW
        pltpu.sync_copy(dst_hbm.at[w], idx_v)
        pltpu.sync_copy(z_hbm.at[pl.ds(s * RPS, RPS)],
                        acc_sh.at[pl.ds(s * RPS, RPS)])
        plsc.subcore_barrier()

        def start(j, b, sem):
            pltpu.async_copy(r_hbm.at[pl.ds(base + j * CH, CH)],
                             rows_v.at[b], sem)

        def finish(j, b, sem):
            pltpu.make_async_copy(r_hbm.at[pl.ds(base, CH)],
                                  rows_v.at[b], sem).wait()
            pltpu.sync_copy(rows_v.at[b], acc_sh.at[idx_v.at[j]], add=True)

        start(0, 0, sem0)

        @pl.loop(0, JPW // 2)
        def _(i):
            j = i * 2
            start(j + 1, 1, sem1)
            finish(j, 0, sem0)

            @pl.when(j + 2 < JPW)
            def _():
                start(j + 2, 0, sem0)

            finish(j + 1, 1, sem1)

        plsc.subcore_barrier()
        pltpu.sync_copy(acc_sh.at[pl.ds(s * RPS, RPS)],
                        out_hbm.at[c].at[pl.ds(s * RPS, RPS)])

    rp = scatter_r(r_full, dst_p, z128)

    h2 = pl.pallas_call(
        _combine_body,
        out_shape=jax.ShapeDtypeStruct((N_PAD, D), _f32),
    )(rp, h_p)

    @functools.partial(
        pl.kernel, mesh=mesh,
        out_type=jax.ShapeDtypeStruct((NC, N_PAD, D), _f32),
        scratch_types=[pltpu.VMEM((JPW // 2, CH), jnp.int32),
                       pltpu.VMEM((JPW // 2, CH), jnp.int32),
                       pltpu.VMEM((2, CH, D), _f32),
                       pltpu.VMEM_SHARED((N_PAD, D), _f32),
                       pltpu.SemaphoreType.DMA,
                       pltpu.SemaphoreType.DMA],
    )
    def agg_k(h2_hbm, src_hbm, dst_hbm, z_hbm, out_hbm,
              si_v, di_v, rows_v, acc_sh, sem0, sem1):
        c = lax.axis_index("c")
        s = lax.axis_index("s")
        w = s * NC + c
        HJ = JPW // 2
        pltpu.sync_copy(z_hbm.at[pl.ds(s * RPS, RPS)],
                        acc_sh.at[pl.ds(s * RPS, RPS)])
        plsc.subcore_barrier()

        def start(j, b, sem):
            pltpu.async_copy(h2_hbm.at[si_v.at[j]], rows_v.at[b], sem)

        def finish(j, b, sem):
            pltpu.make_async_copy(h2_hbm.at[si_v.at[j]],
                                  rows_v.at[b], sem).wait()
            pltpu.sync_copy(rows_v.at[b], acc_sh.at[di_v.at[j]], add=True)

        for p in range(2):
            pltpu.sync_copy(src_hbm.at[w].at[pl.ds(p * HJ, HJ)], si_v)
            pltpu.sync_copy(dst_hbm.at[w].at[pl.ds(p * HJ, HJ)], di_v)
            start(0, 0, sem0)

            @pl.loop(0, HJ // 2)
            def _(i):
                j = i * 2
                start(j + 1, 1, sem1)
                finish(j, 0, sem0)

                @pl.when(j + 2 < HJ)
                def _():
                    start(j + 2, 0, sem0)

                finish(j + 1, 1, sem1)

        plsc.subcore_barrier()
        pltpu.sync_copy(acc_sh.at[pl.ds(s * RPS, RPS)],
                        out_hbm.at[c].at[pl.ds(s * RPS, RPS)])

    ap = agg_k(h2, src_p, dst_p, z128)

    out = pl.pallas_call(
        _mlp_body,
        out_shape=jax.ShapeDtypeStruct((N, D), _f32),
    )(h2, ap, Wm1, row(bm1), row(g2), row(bt2), Wm2, row(bm2), row(g3),
      row(bt3))
    return out

# --- scband reference (transcript-rebuilt; emitter-appended) ---
"""Pipeline reference for scband-ginlayer-12463995093413 (READ-ONLY COPY).

The authoritative reference and input builder live on the scoring server;
editing this copy changes nothing except your own understanding.
"""

import jax, jax.numpy as jnp
import numpy as np

N = 10000
E = 320000
D = 128
DE = 16


def _bn(x, g, b):
    m = jnp.mean(x, axis=0)
    v = jnp.mean((x - m) ** 2, axis=0)
    return (x - m) / jnp.sqrt(v + 1e-5) * g + b


def setup_inputs(seed: int = 0) -> dict:
    key = jax.random.key(seed)
    ks = jax.random.split(key, 16)
    h = jax.random.normal(ks[0], (N, D), dtype=jnp.float32)
    edge_index = jax.random.randint(ks[1], (2, E), 0, N, dtype=jnp.int32)
    edge_attr = jax.random.normal(ks[2], (E, DE), dtype=jnp.float32)
    def lin(k, din, dout):
        return jax.random.normal(k, (din, dout), dtype=jnp.float32) * 0.05
    We1 = lin(ks[3], DE, D)
    be1 = jnp.zeros((D,), jnp.float32)
    g1 = jnp.ones((D,), jnp.float32)
    bt1 = jnp.zeros((D,), jnp.float32)
    We2 = lin(ks[4], D, D)
    be2 = jnp.zeros((D,), jnp.float32)
    Wm1 = lin(ks[5], D, D)
    bm1 = jnp.zeros((D,), jnp.float32)
    g2 = jnp.ones((D,), jnp.float32)
    bt2 = jnp.zeros((D,), jnp.float32)
    Wm2 = lin(ks[6], D, D)
    bm2 = jnp.zeros((D,), jnp.float32)
    g3 = jnp.ones((D,), jnp.float32)
    bt3 = jnp.zeros((D,), jnp.float32)
    return {"h": h, "edge_index": edge_index, "edge_attr": edge_attr,
            "We1": We1, "be1": be1, "g1": g1, "bt1": bt1, "We2": We2, "be2": be2,
            "Wm1": Wm1, "bm1": bm1, "g2": g2, "bt2": bt2, "Wm2": Wm2, "bm2": bm2,
            "g3": g3, "bt3": bt3}


def reference(h, edge_index, edge_attr, We1, be1, g1, bt1, We2, be2,
              Wm1, bm1, g2, bt2, Wm2, bm2, g3, bt3):
    # edge_encoder: Linear -> BN (training stats) -> ReLU -> Linear
    e = edge_attr @ We1 + be1
    e = _bn(e, g1, bt1)
    e = jax.nn.relu(e)
    e = e @ We2 + be2
    src = edge_index[0]
    dst = edge_index[1]
    # scatter-add edge embeddings to destination nodes
    agg_e = jnp.zeros((h.shape[0], e.shape[1]), e.dtype).at[dst].add(e)
    h2 = h + agg_e
    # GINConv with eps=0: out = mlp((1+eps)*x + sum_{j in N(i)} x_j)
    msg = h2[src]
    agg = jnp.zeros_like(h2).at[dst].add(msg)
    pre = h2 + agg
    m = pre @ Wm1 + bm1
    m = _bn(m, g2, bt2)
    m = jax.nn.relu(m)
    m = m @ Wm2 + bm2
    m = _bn(m, g3, bt3)
    m = jax.nn.relu(m)
    return m

if __name__ == "__main__":
    import jax
    _d = setup_inputs()
    print(jax.jit(kernel)(*tuple(_d.values())))

</pallas_src>

<mosaic_0001>
#map = affine_map<(d0, d1) -> (0, 0)>
#map1 = affine_map<(d0, d1) -> (0, 0, 0)>
module attributes {stable_mosaic.version = 14 : i64} {
  func.func @agg_k(%arg0: i32, %arg1: i32, %arg2: memref<10240x128xf32, #tpu.memory_space<hbm>>, %arg3: memref<32x80x128xi32, #tpu.memory_space<hbm>>, %arg4: memref<32x80x128xi32, #tpu.memory_space<hbm>>, %arg5: memref<10240x128xf32, #tpu.memory_space<hbm>>, %arg6: memref<2x10240x128xf32, #tpu.memory_space<hbm>>, %arg7: memref<40x128xi32, #tpu.memory_space<vmem>>, %arg8: memref<40x128xi32, #tpu.memory_space<vmem>>, %arg9: memref<2x128x128xf32, #tpu.memory_space<vmem>>, %arg10: memref<10240x128xf32, #tpu.memory_space<vmem_shared>>, %arg11: memref<!tpu.dma_semaphore, #tpu.memory_space<semaphore_mem>>, %arg12: memref<!tpu.dma_semaphore, #tpu.memory_space<semaphore_mem>>) attributes {dimension_semantics = [#tpu.dimension_semantics<core_parallel>, #tpu.dimension_semantics<subcore_parallel>], iteration_bounds = array<i64: 2, 16>, scalar_prefetch = 0 : i64, scratch_operands = 6 : i64, tpu.core_type = #tpu.core_type<sc_vector_subcore>, window_params = [{transform_indices = #map}, {transform_indices = #map1}, {transform_indices = #map1}, {transform_indices = #map}, {transform_indices = #map1}]} {
    %mul3A = arith.constant 2 : i32
    %mul3A_0 = arith.muli %arg1, %mul3A : i32
    %add3A = arith.addi %mul3A_0, %arg0 : i32
    %mul3A_1 = arith.constant 640 : i32
    %mul3A_2 = arith.muli %arg1, %mul3A_1 : i32
    %mul3A_3 = arith.constant 640 : i32
    %mul3A_4 = arith.muli %arg1, %mul3A_3 : i32
    "tpu.region"() ({
      %run_scoped3A = tpu.sem_alloc : memref<!tpu.dma_semaphore, #tpu.memory_space<semaphore_mem>>
      %dma_start3A_42 = arith.constant 0 : i32
      %dma_start3A_43 = tpu.memref_slice %arg10[%mul3A_4, %dma_start3A_42] : memref<10240x128xf32, #tpu.memory_space<vmem_shared>> -> memref<640x128xf32, #tpu.memory_space<vmem_shared>>
      %dma_start3A_44 = arith.constant 0 : i32
      %dma_start3A_45 = tpu.memref_slice %arg5[%mul3A_2, %dma_start3A_44] : memref<10240x128xf32, #tpu.memory_space<hbm>> -> memref<640x128xf32, #tpu.memory_space<hbm>>
      tpu.enqueue_dma source(%dma_start3A_45 : memref<640x128xf32, #tpu.memory_space<hbm>>) target(%dma_start3A_43 : memref<640x128xf32, #tpu.memory_space<vmem_shared>>) target_semaphore(%run_scoped3A : memref<!tpu.dma_semaphore, #tpu.memory_space<semaphore_mem>>)
      %dma_wait3A = arith.constant 0 : i32
      %dma_wait3A_46 = tpu.memref_slice %arg10[%mul3A_4, %dma_wait3A] : memref<10240x128xf32, #tpu.memory_space<vmem_shared>> -> memref<640x128xf32, #tpu.memory_space<vmem_shared>>
      %dma_wait3A_47 = arith.constant 0 : i32
      %dma_wait3A_48 = tpu.memref_slice %arg5[%mul3A_2, %dma_wait3A_47] : memref<10240x128xf32, #tpu.memory_space<hbm>> -> memref<640x128xf32, #tpu.memory_space<hbm>>
      tpu.wait_dma2 semaphore(%run_scoped3A : memref<!tpu.dma_semaphore, #tpu.memory_space<semaphore_mem>>) src(%dma_wait3A_48 : memref<640x128xf32, #tpu.memory_space<hbm>>) dst(%dma_wait3A_46 : memref<640x128xf32, #tpu.memory_space<vmem_shared>>)
      tpu.yield
    }) : () -> ()
    %barrier3A = arith.constant 0 : index
    tpu.barrier barrier_id(%barrier3A)
    "tpu.region"() ({
      %run_scoped3A = tpu.sem_alloc : memref<!tpu.dma_semaphore, #tpu.memory_space<semaphore_mem>>
      %dma_start3A_42 = arith.constant 0 : i32
      %dma_start3A_43 = arith.constant 0 : i32
      %dma_start3A_44 = tpu.memref_slice %arg3[%add3A, %dma_start3A_42, %dma_start3A_43] : memref<32x80x128xi32, #tpu.memory_space<hbm>> -> memref<1x80x128xi32, #tpu.memory_space<hbm>>
      %dma_start3A_45 = tpu.memref_squeeze %dma_start3A_44 : memref<1x80x128xi32, #tpu.memory_space<hbm>> -> memref<80x128xi32, #tpu.memory_space<hbm>>
      %dma_start3A_46 = arith.constant 0 : i32
      %dma_start3A_47 = arith.constant 0 : i32
      %dma_start3A_48 = tpu.memref_slice %dma_start3A_45[%dma_start3A_46, %dma_start3A_47] : memref<80x128xi32, #tpu.memory_space<hbm>> -> memref<40x128xi32, #tpu.memory_space<hbm>>
      %dma_start3A_49 = arith.constant 0 : i32
      %dma_start3A_50 = arith.constant 0 : i32
      %dma_start3A_51 = tpu.memref_slice %arg3[%add3A, %dma_start3A_49, %dma_start3A_50] : memref<32x80x128xi32, #tpu.memory_space<hbm>> -> memref<1x80x128xi32, #tpu.memory_space<hbm>>
      %dma_start3A_52 = tpu.memref_squeeze %dma_start3A_51 : memref<1x80x128xi32, #tpu.memory_space<hbm>> -> memref<80x128xi32, #tpu.memory_space<hbm>>
      %dma_start3A_53 = arith.constant 0 : i32
      %dma_start3A_54 = arith.constant 0 : i32
      %dma_start3A_55 = tpu.memref_slice %dma_start3A_52[%dma_start3A_53, %dma_start3A_54] : memref<80x128xi32, #tpu.memory_space<hbm>> -> memref<40x128xi32, #tpu.memory_space<hbm>>
      tpu.enqueue_dma source(%dma_start3A_55 : memref<40x128xi32, #tpu.memory_space<hbm>>) target(%arg7 : memref<40x128xi32, #tpu.memory_space<vmem>>) target_semaphore(%run_scoped3A : memref<!tpu.dma_semaphore, #tpu.memory_space<semaphore_mem>>)
      %dma_wait3A = arith.constant 0 : i32
      %dma_wait3A_56 = arith.constant 0 : i32
      %dma_wait3A_57 = tpu.memref_slice %arg3[%add3A, %dma_wait3A, %dma_wait3A_56] : memref<32x80x128xi32, #tpu.memory_space<hbm>> -> memref<1x80x128xi32, #tpu.memory_space<hbm>>
      %dma_wait3A_58 = tpu.memref_squeeze %dma_wait3A_57 : memref<1x80x128xi32, #tpu.memory_space<hbm>> -> memref<80x128xi32, #tpu.memory_space<hbm>>
      %dma_wait3A_59 = arith.constant 0 : i32
      %dma_wait3A_60 = arith.constant 0 : i32
      %dma_wait3A_61 = tpu.memref_slice %dma_wait3A_58[%dma_wait3A_59, %dma_wait3A_60] : memref<80x128xi32, #tpu.memory_space<hbm>> -> memref<40x128xi32, #tpu.memory_space<hbm>>
      %dma_wait3A_62 = arith.constant 0 : i32
      %dma_wait3A_63 = arith.constant 0 : i32
      %dma_wait3A_64 = tpu.memref_slice %arg3[%add3A, %dma_wait3A_62, %dma_wait3A_63] : memref<32x80x128xi32, #tpu.memory_space<hbm>> -> memref<1x80x128xi32, #tpu.memory_space<hbm>>
      %dma_wait3A_65 = tpu.memref_squeeze %dma_wait3A_64 : memref<1x80x128xi32, #tpu.memory_space<hbm>> -> memref<80x128xi32, #tpu.memory_space<hbm>>
      %dma_wait3A_66 = arith.constant 0 : i32
      %dma_wait3A_67 = arith.constant 0 : i32
      %dma_wait3A_68 = tpu.memref_slice %dma_wait3A_65[%dma_wait3A_66, %dma_wait3A_67] : memref<80x128xi32, #tpu.memory_space<hbm>> -> memref<40x128xi32, #tpu.memory_space<hbm>>
      tpu.wait_dma2 semaphore(%run_scoped3A : memref<!tpu.dma_semaphore, #tpu.memory_space<semaphore_mem>>) src(%dma_wait3A_68 : memref<40x128xi32, #tpu.memory_space<hbm>>) dst(%arg7 : memref<40x128xi32, #tpu.memory_space<vmem>>)
      tpu.yield
    }) : () -> ()
    "tpu.region"() ({
      %run_scoped3A = tpu.sem_alloc : memref<!tpu.dma_semaphore, #tpu.memory_space<semaphore_mem>>
      %dma_start3A_42 = arith.constant 0 : i32
      %dma_start3A_43 = arith.constant 0 : i32
      %dma_start3A_44 = tpu.memref_slice %arg4[%add3A, %dma_start3A_42, %dma_start3A_43] : memref<32x80x128xi32, #tpu.memory_space<hbm>> -> memref<1x80x128xi32, #tpu.memory_space<hbm>>
      %dma_start3A_45 = tpu.memref_squeeze %dma_start3A_44 : memref<1x80x128xi32, #tpu.memory_space<hbm>> -> memref<80x128xi32, #tpu.memory_space<hbm>>
      %dma_start3A_46 = arith.constant 0 : i32
      %dma_start3A_47 = arith.constant 0 : i32
      %dma_start3A_48 = tpu.memref_slice %dma_start3A_45[%dma_start3A_46, %dma_start3A_47] : memref<80x128xi32, #tpu.memory_space<hbm>> -> memref<40x128xi32, #tpu.memory_space<hbm>>
      %dma_start3A_49 = arith.constant 0 : i32
      %dma_start3A_50 = arith.constant 0 : i32
      %dma_start3A_51 = tpu.memref_slice %arg4[%add3A, %dma_start3A_49, %dma_start3A_50] : memref<32x80x128xi32, #tpu.memory_space<hbm>> -> memref<1x80x128xi32, #tpu.memory_space<hbm>>
      %dma_start3A_52 = tpu.memref_squeeze %dma_start3A_51 : memref<1x80x128xi32, #tpu.memory_space<hbm>> -> memref<80x128xi32, #tpu.memory_space<hbm>>
      %dma_start3A_53 = arith.constant 0 : i32
      %dma_start3A_54 = arith.constant 0 : i32
      %dma_start3A_55 = tpu.memref_slice %dma_start3A_52[%dma_start3A_53, %dma_start3A_54] : memref<80x128xi32, #tpu.memory_space<hbm>> -> memref<40x128xi32, #tpu.memory_space<hbm>>
      tpu.enqueue_dma source(%dma_start3A_55 : memref<40x128xi32, #tpu.memory_space<hbm>>) target(%arg8 : memref<40x128xi32, #tpu.memory_space<vmem>>) target_semaphore(%run_scoped3A : memref<!tpu.dma_semaphore, #tpu.memory_space<semaphore_mem>>)
      %dma_wait3A = arith.constant 0 : i32
      %dma_wait3A_56 = arith.constant 0 : i32
      %dma_wait3A_57 = tpu.memref_slice %arg4[%add3A, %dma_wait3A, %dma_wait3A_56] : memref<32x80x128xi32, #tpu.memory_space<hbm>> -> memref<1x80x128xi32, #tpu.memory_space<hbm>>
      %dma_wait3A_58 = tpu.memref_squeeze %dma_wait3A_57 : memref<1x80x128xi32, #tpu.memory_space<hbm>> -> memref<80x128xi32, #tpu.memory_space<hbm>>
      %dma_wait3A_59 = arith.constant 0 : i32
      %dma_wait3A_60 = arith.constant 0 : i32
      %dma_wait3A_61 = tpu.memref_slice %dma_wait3A_58[%dma_wait3A_59, %dma_wait3A_60] : memref<80x128xi32, #tpu.memory_space<hbm>> -> memref<40x128xi32, #tpu.memory_space<hbm>>
      %dma_wait3A_62 = arith.constant 0 : i32
      %dma_wait3A_63 = arith.constant 0 : i32
      %dma_wait3A_64 = tpu.memref_slice %arg4[%add3A, %dma_wait3A_62, %dma_wait3A_63] : memref<32x80x128xi32, #tpu.memory_space<hbm>> -> memref<1x80x128xi32, #tpu.memory_space<hbm>>
      %dma_wait3A_65 = tpu.memref_squeeze %dma_wait3A_64 : memref<1x80x128xi32, #tpu.memory_space<hbm>> -> memref<80x128xi32, #tpu.memory_space<hbm>>
      %dma_wait3A_66 = arith.constant 0 : i32
      %dma_wait3A_67 = arith.constant 0 : i32
      %dma_wait3A_68 = tpu.memref_slice %dma_wait3A_65[%dma_wait3A_66, %dma_wait3A_67] : memref<80x128xi32, #tpu.memory_space<hbm>> -> memref<40x128xi32, #tpu.memory_space<hbm>>
      tpu.wait_dma2 semaphore(%run_scoped3A : memref<!tpu.dma_semaphore, #tpu.memory_space<semaphore_mem>>) src(%dma_wait3A_68 : memref<40x128xi32, #tpu.memory_space<hbm>>) dst(%arg8 : memref<40x128xi32, #tpu.memory_space<vmem>>)
      tpu.yield
    }) : () -> ()
    %dma_start3A = arith.constant 0 : i32
    %dma_start3A_5 = arith.constant 0 : i32
    %dma_start3A_6 = arith.constant 0 : i32
    %dma_start3A_7 = arith.constant 0 : i32
    %dma_start3A_8 = tpu.memref_slice %arg9[%dma_start3A_5, %dma_start3A_6, %dma_start3A_7] : memref<2x128x128xf32, #tpu.memory_space<vmem>> -> memref<1x128x128xf32, #tpu.memory_space<vmem>>
    %dma_start3A_9 = tpu.memref_squeeze %dma_start3A_8 : memref<1x128x128xf32, #tpu.memory_space<vmem>> -> memref<128x128xf32, #tpu.memory_space<vmem>>
    %dma_start3A_10 = arith.constant 0 : i32
    %dma_start3A_11 = tpu.memref_slice %arg7[%dma_start3A, %dma_start3A_10] : memref<40x128xi32, #tpu.memory_space<vmem>> -> memref<1x128xi32, #tpu.memory_space<vmem>>
    %dma_start3A_12 = tpu.memref_squeeze %dma_start3A_11 : memref<1x128xi32, #tpu.memory_space<vmem>> -> memref<128xi32, #tpu.memory_space<vmem>>
    %dma_start3A_13 = arith.constant 0 : i32
    %dma_start3A_14 = arith.constant 0 : i32
    %dma_start3A_15 = tpu.memref_slice %arg2[%dma_start3A_13, %dma_start3A_14] : memref<10240x128xf32, #tpu.memory_space<hbm>> -> memref<10240x128xf32, #tpu.memory_space<hbm>>
    tpu.enqueue_indirect_dma source(%dma_start3A_15 : memref<10240x128xf32, #tpu.memory_space<hbm>>) target(%dma_start3A_9 : memref<128x128xf32, #tpu.memory_space<vmem>>) offsets(%dma_start3A_12 : memref<128xi32, #tpu.memory_space<vmem>>) semaphore(%arg11 : memref<!tpu.dma_semaphore, #tpu.memory_space<semaphore_mem>>)
    %scan3A = arith.constant 0 : i32
    %scan3A_16 = arith.constant 20 : i32
    %scan3A_17 = arith.addi %scan3A, %scan3A_16 : i32
    %scan3A_18 = arith.constant 1 : i32
    scf.for %scan3A_42 = %scan3A to %scan3A_17 step %scan3A_18  : i32 {
      %mul3A_43 = arith.constant 1 : i32
      %mul3A_44 = arith.muli %scan3A_42, %mul3A_43 : i32
      %add3A_45 = arith.constant 0 : i32
      %add3A_46 = arith.addi %add3A_45, %mul3A_44 : i32
      %mul3A_47 = arith.constant 2 : i32
      %mul3A_48 = arith.muli %add3A_46, %mul3A_47 : i32
      %add3A_49 = arith.constant 1 : i32
      %add3A_50 = arith.addi %mul3A_48, %add3A_49 : i32
      %dma_start3A_51 = arith.constant 1 : i32
      %dma_start3A_52 = arith.constant 0 : i32
      %dma_start3A_53 = arith.constant 0 : i32
      %dma_start3A_54 = tpu.memref_slice %arg9[%dma_start3A_51, %dma_start3A_52, %dma_start3A_53] : memref<2x128x128xf32, #tpu.memory_space<vmem>> -> memref<1x128x128xf32, #tpu.memory_space<vmem>>
      %dma_start3A_55 = tpu.memref_squeeze %dma_start3A_54 : memref<1x128x128xf32, #tpu.memory_space<vmem>> -> memref<128x128xf32, #tpu.memory_space<vmem>>
      %dma_start3A_56 = arith.constant 0 : i32
      %dma_start3A_57 = tpu.memref_slice %arg7[%add3A_50, %dma_start3A_56] : memref<40x128xi32, #tpu.memory_space<vmem>> -> memref<1x128xi32, #tpu.memory_space<vmem>>
      %dma_start3A_58 = tpu.memref_squeeze %dma_start3A_57 : memref<1x128xi32, #tpu.memory_space<vmem>> -> memref<128xi32, #tpu.memory_space<vmem>>
      %dma_start3A_59 = arith.constant 0 : i32
      %dma_start3A_60 = arith.constant 0 : i32
      %dma_start3A_61 = tpu.memref_slice %arg2[%dma_start3A_59, %dma_start3A_60] : memref<10240x128xf32, #tpu.memory_space<hbm>> -> memref<10240x128xf32, #tpu.memory_space<hbm>>
      tpu.enqueue_indirect_dma source(%dma_start3A_61 : memref<10240x128xf32, #tpu.memory_space<hbm>>) target(%dma_start3A_55 : memref<128x128xf32, #tpu.memory_space<vmem>>) offsets(%dma_start3A_58 : memref<128xi32, #tpu.memory_space<vmem>>) semaphore(%arg12 : memref<!tpu.dma_semaphore, #tpu.memory_space<semaphore_mem>>)
      %dma_wait3A = arith.constant 0 : i32
      %dma_wait3A_62 = arith.constant 0 : i32
      %dma_wait3A_63 = arith.constant 0 : i32
      %dma_wait3A_64 = tpu.memref_slice %arg9[%dma_wait3A, %dma_wait3A_62, %dma_wait3A_63] : memref<2x128x128xf32, #tpu.memory_space<vmem>> -> memref<1x128x128xf32, #tpu.memory_space<vmem>>
      %dma_wait3A_65 = tpu.memref_squeeze %dma_wait3A_64 : memref<1x128x128xf32, #tpu.memory_space<vmem>> -> memref<128x128xf32, #tpu.memory_space<vmem>>
      %dma_wait3A_66 = arith.constant 0 : i32
      %dma_wait3A_67 = tpu.memref_slice %arg7[%mul3A_48, %dma_wait3A_66] : memref<40x128xi32, #tpu.memory_space<vmem>> -> memref<1x128xi32, #tpu.memory_space<vmem>>
      %dma_wait3A_68 = tpu.memref_squeeze %dma_wait3A_67 : memref<1x128xi32, #tpu.memory_space<vmem>> -> memref<128xi32, #tpu.memory_space<vmem>>
      %dma_wait3A_69 = arith.constant 0 : i32
      %dma_wait3A_70 = arith.constant 0 : i32
      %dma_wait3A_71 = tpu.memref_slice %arg2[%dma_wait3A_69, %dma_wait3A_70] : memref<10240x128xf32, #tpu.memory_space<hbm>> -> memref<10240x128xf32, #tpu.memory_space<hbm>>
      tpu.wait_indirect_dma semaphore(%arg11 : memref<!tpu.dma_semaphore, #tpu.memory_space<semaphore_mem>>) src(%dma_wait3A_71 : memref<10240x128xf32, #tpu.memory_space<hbm>>) dst(%dma_wait3A_65 : memref<128x128xf32, #tpu.memory_space<vmem>>)
      %run_scoped3A = arith.constant 0 : i32
      "tpu.region"() ({
        %run_scoped3A_90 = tpu.sem_alloc : memref<!tpu.dma_semaphore, #tpu.memory_space<semaphore_mem>>
        %dma_start3A_91 = arith.constant 0 : i32
        %dma_start3A_92 = arith.constant 0 : i32
        %dma_start3A_93 = tpu.memref_slice %arg9[%run_scoped3A, %dma_start3A_91, %dma_start3A_92] : memref<2x128x128xf32, #tpu.memory_space<vmem>> -> memref<1x128x128xf32, #tpu.memory_space<vmem>>
        %dma_start3A_94 = tpu.memref_squeeze %dma_start3A_93 : memref<1x128x128xf32, #tpu.memory_space<vmem>> -> memref<128x128xf32, #tpu.memory_space<vmem>>
        %dma_start3A_95 = arith.constant 0 : i32
        %dma_start3A_96 = tpu.memref_slice %arg8[%mul3A_48, %dma_start3A_95] : memref<40x128xi32, #tpu.memory_space<vmem>> -> memref<1x128xi32, #tpu.memory_space<vmem>>
        %dma_start3A_97 = tpu.memref_squeeze %dma_start3A_96 : memref<1x128xi32, #tpu.memory_space<vmem>> -> memref<128xi32, #tpu.memory_space<vmem>>
        %dma_start3A_98 = arith.constant 0 : i32
        %dma_start3A_99 = arith.constant 0 : i32
        %dma_start3A_100 = tpu.memref_slice %arg10[%dma_start3A_98, %dma_start3A_99] : memref<10240x128xf32, #tpu.memory_space<vmem_shared>> -> memref<10240x128xf32, #tpu.memory_space<vmem_shared>>
        tpu.enqueue_indirect_dma source(%dma_start3A_94 : memref<128x128xf32, #tpu.memory_space<vmem>>) target(%dma_start3A_100 : memref<10240x128xf32, #tpu.memory_space<vmem_shared>>) offsets(%dma_start3A_97 : memref<128xi32, #tpu.memory_space<vmem>>) semaphore(%run_scoped3A_90 : memref<!tpu.dma_semaphore, #tpu.memory_space<semaphore_mem>>) {add = true}
        %dma_wait3A_101 = arith.constant 0 : i32
        %dma_wait3A_102 = arith.constant 0 : i32
        %dma_wait3A_103 = tpu.memref_slice %arg9[%run_scoped3A, %dma_wait3A_101, %dma_wait3A_102] : memref<2x128x128xf32, #tpu.memory_space<vmem>> -> memref<1x128x128xf32, #tpu.memory_space<vmem>>
        %dma_wait3A_104 = tpu.memref_squeeze %dma_wait3A_103 : memref<1x128x128xf32, #tpu.memory_space<vmem>> -> memref<128x128xf32, #tpu.memory_space<vmem>>
        %dma_wait3A_105 = arith.constant 0 : i32
        %dma_wait3A_106 = tpu.memref_slice %arg8[%mul3A_48, %dma_wait3A_105] : memref<40x128xi32, #tpu.memory_space<vmem>> -> memref<1x128xi32, #tpu.memory_space<vmem>>
        %dma_wait3A_107 = tpu.memref_squeeze %dma_wait3A_106 : memref<1x128xi32, #tpu.memory_space<vmem>> -> memref<128xi32, #tpu.memory_space<vmem>>
        %dma_wait3A_108 = arith.constant 0 : i32
        %dma_wait3A_109 = arith.constant 0 : i32
        %dma_wait3A_110 = tpu.memref_slice %arg10[%dma_wait3A_108, %dma_wait3A_109] : memref<10240x128xf32, #tpu.memory_space<vmem_shared>> -> memref<10240x128xf32, #tpu.memory_space<vmem_shared>>
        tpu.wait_indirect_dma semaphore(%run_scoped3A_90 : memref<!tpu.dma_semaphore, #tpu.memory_space<semaphore_mem>>) src(%dma_wait3A_104 : memref<128x128xf32, #tpu.memory_space<vmem>>) dst(%dma_wait3A_110 : memref<10240x128xf32, #tpu.memory_space<vmem_shared>>)
        tpu.yield
      }) : () -> ()
      %add3A_72 = arith.constant 2 : i32
      %add3A_73 = arith.addi %mul3A_48, %add3A_72 : i32
      %lt3A = arith.constant 40 : i32
      %lt3A_74 = arith.cmpi slt, %add3A_73, %lt3A : i32
      %convert_element_type3A = arith.extui %lt3A_74 : i1 to i32
      %cond3A = arith.constant 0 : i32
      %cond3A_75 = arith.cmpi ne, %convert_element_type3A, %cond3A : i32
      scf.if %cond3A_75 {
        %add3A_90 = arith.constant 2 : i32
        %add3A_91 = arith.addi %mul3A_48, %add3A_90 : i32
        %dma_start3A_92 = arith.constant 0 : i32
        %dma_start3A_93 = arith.constant 0 : i32
        %dma_start3A_94 = arith.constant 0 : i32
        %dma_start3A_95 = tpu.memref_slice %arg9[%dma_start3A_92, %dma_start3A_93, %dma_start3A_94] : memref<2x128x128xf32, #tpu.memory_space<vmem>> -> memref<1x128x128xf32, #tpu.memory_space<vmem>>
        %dma_start3A_96 = tpu.memref_squeeze %dma_start3A_95 : memref<1x128x128xf32, #tpu.memory_space<vmem>> -> memref<128x128xf32, #tpu.memory_space<vmem>>
        %dma_start3A_97 = arith.constant 0 : i32
        %dma_start3A_98 = tpu.memref_slice %arg7[%add3A_91, %dma_start3A_97] : memref<40x128xi32, #tpu.memory_space<vmem>> -> memref<1x128xi32, #tpu.memory_space<vmem>>
        %dma_start3A_99 = tpu.memref_squeeze %dma_start3A_98 : memref<1x128xi32, #tpu.memory_space<vmem>> -> memref<128xi32, #tpu.memory_space<vmem>>
        %dma_start3A_100 = arith.constant 0 : i32
        %dma_start3A_101 = arith.constant 0 : i32
        %dma_start3A_102 = tpu.memref_slice %arg2[%dma_start3A_100, %dma_start3A_101] : memref<10240x128xf32, #tpu.memory_space<hbm>> -> memref<10240x128xf32, #tpu.memory_space<hbm>>
        tpu.enqueue_indirect_dma source(%dma_start3A_102 : memref<10240x128xf32, #tpu.memory_space<hbm>>) target(%dma_start3A_96 : memref<128x128xf32, #tpu.memory_space<vmem>>) offsets(%dma_start3A_99 : memref<128xi32, #tpu.memory_space<vmem>>) semaphore(%arg11 : memref<!tpu.dma_semaphore, #tpu.memory_space<semaphore_mem>>)
      } else {
      }
      %add3A_76 = arith.constant 1 : i32
      %add3A_77 = arith.addi %mul3A_48, %add3A_76 : i32
      %dma_wait3A_78 = arith.constant 1 : i32
      %dma_wait3A_79 = arith.constant 0 : i32
      %dma_wait3A_80 = arith.constant 0 : i32
      %dma_wait3A_81 = tpu.memref_slice %arg9[%dma_wait3A_78, %dma_wait3A_79, %dma_wait3A_80] : memref<2x128x128xf32, #tpu.memory_space<vmem>> -> memref<1x128x128xf32, #tpu.memory_space<vmem>>
      %dma_wait3A_82 = tpu.memref_squeeze %dma_wait3A_81 : memref<1x128x128xf32, #tpu.memory_space<vmem>> -> memref<128x128xf32, #tpu.memory_space<vmem>>
      %dma_wait3A_83 = arith.constant 0 : i32
      %dma_wait3A_84 = tpu.memref_slice %arg7[%add3A_77, %dma_wait3A_83] : memref<40x128xi32, #tpu.memory_space<vmem>> -> memref<1x128xi32, #tpu.memory_space<vmem>>
      %dma_wait3A_85 = tpu.memref_squeeze %dma_wait3A_84 : memref<1x128xi32, #tpu.memory_space<vmem>> -> memref<128xi32, #tpu.memory_space<vmem>>
      %dma_wait3A_86 = arith.constant 0 : i32
      %dma_wait3A_87 = arith.constant 0 : i32
      %dma_wait3A_88 = tpu.memref_slice %arg2[%dma_wait3A_86, %dma_wait3A_87] : memref<10240x128xf32, #tpu.memory_space<hbm>> -> memref<10240x128xf32, #tpu.memory_space<hbm>>
      tpu.wait_indirect_dma semaphore(%arg12 : memref<!tpu.dma_semaphore, #tpu.memory_space<semaphore_mem>>) src(%dma_wait3A_88 : memref<10240x128xf32, #tpu.memory_space<hbm>>) dst(%dma_wait3A_82 : memref<128x128xf32, #tpu.memory_space<vmem>>)
      %run_scoped3A_89 = arith.constant 1 : i32
      "tpu.region"() ({
        %run_scoped3A_90 = tpu.sem_alloc : memref<!tpu.dma_semaphore, #tpu.memory_space<semaphore_mem>>
        %dma_start3A_91 = arith.constant 0 : i32
        %dma_start3A_92 = arith.constant 0 : i32
        %dma_start3A_93 = tpu.memref_slice %arg9[%run_scoped3A_89, %dma_start3A_91, %dma_start3A_92] : memref<2x128x128xf32, #tpu.memory_space<vmem>> -> memref<1x128x128xf32, #tpu.memory_space<vmem>>
        %dma_start3A_94 = tpu.memref_squeeze %dma_start3A_93 : memref<1x128x128xf32, #tpu.memory_space<vmem>> -> memref<128x128xf32, #tpu.memory_space<vmem>>
        %dma_start3A_95 = arith.constant 0 : i32
        %dma_start3A_96 = tpu.memref_slice %arg8[%add3A_77, %dma_start3A_95] : memref<40x128xi32, #tpu.memory_space<vmem>> -> memref<1x128xi32, #tpu.memory_space<vmem>>
        %dma_start3A_97 = tpu.memref_squeeze %dma_start3A_96 : memref<1x128xi32, #tpu.memory_space<vmem>> -> memref<128xi32, #tpu.memory_space<vmem>>
        %dma_start3A_98 = arith.constant 0 : i32
        %dma_start3A_99 = arith.constant 0 : i32
        %dma_start3A_100 = tpu.memref_slice %arg10[%dma_start3A_98, %dma_start3A_99] : memref<10240x128xf32, #tpu.memory_space<vmem_shared>> -> memref<10240x128xf32, #tpu.memory_space<vmem_shared>>
        tpu.enqueue_indirect_dma source(%dma_start3A_94 : memref<128x128xf32, #tpu.memory_space<vmem>>) target(%dma_start3A_100 : memref<10240x128xf32, #tpu.memory_space<vmem_shared>>) offsets(%dma_start3A_97 : memref<128xi32, #tpu.memory_space<vmem>>) semaphore(%run_scoped3A_90 : memref<!tpu.dma_semaphore, #tpu.memory_space<semaphore_mem>>) {add = true}
        %dma_wait3A_101 = arith.constant 0 : i32
        %dma_wait3A_102 = arith.constant 0 : i32
        %dma_wait3A_103 = tpu.memref_slice %arg9[%run_scoped3A_89, %dma_wait3A_101, %dma_wait3A_102] : memref<2x128x128xf32, #tpu.memory_space<vmem>> -> memref<1x128x128xf32, #tpu.memory_space<vmem>>
        %dma_wait3A_104 = tpu.memref_squeeze %dma_wait3A_103 : memref<1x128x128xf32, #tpu.memory_space<vmem>> -> memref<128x128xf32, #tpu.memory_space<vmem>>
        %dma_wait3A_105 = arith.constant 0 : i32
        %dma_wait3A_106 = tpu.memref_slice %arg8[%add3A_77, %dma_wait3A_105] : memref<40x128xi32, #tpu.memory_space<vmem>> -> memref<1x128xi32, #tpu.memory_space<vmem>>
        %dma_wait3A_107 = tpu.memref_squeeze %dma_wait3A_106 : memref<1x128xi32, #tpu.memory_space<vmem>> -> memref<128xi32, #tpu.memory_space<vmem>>
        %dma_wait3A_108 = arith.constant 0 : i32
        %dma_wait3A_109 = arith.constant 0 : i32
        %dma_wait3A_110 = tpu.memref_slice %arg10[%dma_wait3A_108, %dma_wait3A_109] : memref<10240x128xf32, #tpu.memory_space<vmem_shared>> -> memref<10240x128xf32, #tpu.memory_space<vmem_shared>>
        tpu.wait_indirect_dma semaphore(%run_scoped3A_90 : memref<!tpu.dma_semaphore, #tpu.memory_space<semaphore_mem>>) src(%dma_wait3A_104 : memref<128x128xf32, #tpu.memory_space<vmem>>) dst(%dma_wait3A_110 : memref<10240x128xf32, #tpu.memory_space<vmem_shared>>)
        tpu.yield
      }) : () -> ()
    }
    %scan3A_19 = arith.constant 20 : i32
    "tpu.region"() ({
      %run_scoped3A = tpu.sem_alloc : memref<!tpu.dma_semaphore, #tpu.memory_space<semaphore_mem>>
      %dma_start3A_42 = arith.constant 0 : i32
      %dma_start3A_43 = arith.constant 0 : i32
      %dma_start3A_44 = tpu.memref_slice %arg3[%add3A, %dma_start3A_42, %dma_start3A_43] : memref<32x80x128xi32, #tpu.memory_space<hbm>> -> memref<1x80x128xi32, #tpu.memory_space<hbm>>
      %dma_start3A_45 = tpu.memref_squeeze %dma_start3A_44 : memref<1x80x128xi32, #tpu.memory_space<hbm>> -> memref<80x128xi32, #tpu.memory_space<hbm>>
      %dma_start3A_46 = arith.constant 40 : i32
      %dma_start3A_47 = arith.constant 0 : i32
      %dma_start3A_48 = tpu.memref_slice %dma_start3A_45[%dma_start3A_46, %dma_start3A_47] : memref<80x128xi32, #tpu.memory_space<hbm>> -> memref<40x128xi32, #tpu.memory_space<hbm>>
      %dma_start3A_49 = arith.constant 0 : i32
      %dma_start3A_50 = arith.constant 0 : i32
      %dma_start3A_51 = tpu.memref_slice %arg3[%add3A, %dma_start3A_49, %dma_start3A_50] : memref<32x80x128xi32, #tpu.memory_space<hbm>> -> memref<1x80x128xi32, #tpu.memory_space<hbm>>
      %dma_start3A_52 = tpu.memref_squeeze %dma_start3A_51 : memref<1x80x128xi32, #tpu.memory_space<hbm>> -> memref<80x128xi32, #tpu.memory_space<hbm>>
      %dma_start3A_53 = arith.constant 40 : i32
      %dma_start3A_54 = arith.constant 0 : i32
      %dma_start3A_55 = tpu.memref_slice %dma_start3A_52[%dma_start3A_53, %dma_start3A_54] : memref<80x128xi32, #tpu.memory_space<hbm>> -> memref<40x128xi32, #tpu.memory_space<hbm>>
      tpu.enqueue_dma source(%dma_start3A_55 : memref<40x128xi32, #tpu.memory_space<hbm>>) target(%arg7 : memref<40x128xi32, #tpu.memory_space<vmem>>) target_semaphore(%run_scoped3A : memref<!tpu.dma_semaphore, #tpu.memory_space<semaphore_mem>>)
      %dma_wait3A = arith.constant 0 : i32
      %dma_wait3A_56 = arith.constant 0 : i32
      %dma_wait3A_57 = tpu.memref_slice %arg3[%add3A, %dma_wait3A, %dma_wait3A_56] : memref<32x80x128xi32, #tpu.memory_space<hbm>> -> memref<1x80x128xi32, #tpu.memory_space<hbm>>
      %dma_wait3A_58 = tpu.memref_squeeze %dma_wait3A_57 : memref<1x80x128xi32, #tpu.memory_space<hbm>> -> memref<80x128xi32, #tpu.memory_space<hbm>>
      %dma_wait3A_59 = arith.constant 40 : i32
      %dma_wait3A_60 = arith.constant 0 : i32
      %dma_wait3A_61 = tpu.memref_slice %dma_wait3A_58[%dma_wait3A_59, %dma_wait3A_60] : memref<80x128xi32, #tpu.memory_space<hbm>> -> memref<40x128xi32, #tpu.memory_space<hbm>>
      %dma_wait3A_62 = arith.constant 0 : i32
      %dma_wait3A_63 = arith.constant 0 : i32
      %dma_wait3A_64 = tpu.memref_slice %arg3[%add3A, %dma_wait3A_62, %dma_wait3A_63] : memref<32x80x128xi32, #tpu.memory_space<hbm>> -> memref<1x80x128xi32, #tpu.memory_space<hbm>>
      %dma_wait3A_65 = tpu.memref_squeeze %dma_wait3A_64 : memref<1x80x128xi32, #tpu.memory_space<hbm>> -> memref<80x128xi32, #tpu.memory_space<hbm>>
      %dma_wait3A_66 = arith.constant 40 : i32
      %dma_wait3A_67 = arith.constant 0 : i32
      %dma_wait3A_68 = tpu.memref_slice %dma_wait3A_65[%dma_wait3A_66, %dma_wait3A_67] : memref<80x128xi32, #tpu.memory_space<hbm>> -> memref<40x128xi32, #tpu.memory_space<hbm>>
      tpu.wait_dma2 semaphore(%run_scoped3A : memref<!tpu.dma_semaphore, #tpu.memory_space<semaphore_mem>>) src(%dma_wait3A_68 : memref<40x128xi32, #tpu.memory_space<hbm>>) dst(%arg7 : memref<40x128xi32, #tpu.memory_space<vmem>>)
      tpu.yield
    }) : () -> ()
    "tpu.region"() ({
      %run_scoped3A = tpu.sem_alloc : memref<!tpu.dma_semaphore, #tpu.memory_space<semaphore_mem>>
      %dma_start3A_42 = arith.constant 0 : i32
      %dma_start3A_43 = arith.constant 0 : i32
      %dma_start3A_44 = tpu.memref_slice %arg4[%add3A, %dma_start3A_42, %dma_start3A_43] : memref<32x80x128xi32, #tpu.memory_space<hbm>> -> memref<1x80x128xi32, #tpu.memory_space<hbm>>
      %dma_start3A_45 = tpu.memref_squeeze %dma_start3A_44 : memref<1x80x128xi32, #tpu.memory_space<hbm>> -> memref<80x128xi32, #tpu.memory_space<hbm>>
      %dma_start3A_46 = arith.constant 40 : i32
      %dma_start3A_47 = arith.constant 0 : i32
      %dma_start3A_48 = tpu.memref_slice %dma_start3A_45[%dma_start3A_46, %dma_start3A_47] : memref<80x128xi32, #tpu.memory_space<hbm>> -> memref<40x128xi32, #tpu.memory_space<hbm>>
      %dma_start3A_49 = arith.constant 0 : i32
      %dma_start3A_50 = arith.constant 0 : i32
      %dma_start3A_51 = tpu.memref_slice %arg4[%add3A, %dma_start3A_49, %dma_start3A_50] : memref<32x80x128xi32, #tpu.memory_space<hbm>> -> memref<1x80x128xi32, #tpu.memory_space<hbm>>
      %dma_start3A_52 = tpu.memref_squeeze %dma_start3A_51 : memref<1x80x128xi32, #tpu.memory_space<hbm>> -> memref<80x128xi32, #tpu.memory_space<hbm>>
      %dma_start3A_53 = arith.constant 40 : i32
      %dma_start3A_54 = arith.constant 0 : i32
      %dma_start3A_55 = tpu.memref_slice %dma_start3A_52[%dma_start3A_53, %dma_start3A_54] : memref<80x128xi32, #tpu.memory_space<hbm>> -> memref<40x128xi32, #tpu.memory_space<hbm>>
      tpu.enqueue_dma source(%dma_start3A_55 : memref<40x128xi32, #tpu.memory_space<hbm>>) target(%arg8 : memref<40x128xi32, #tpu.memory_space<vmem>>) target_semaphore(%run_scoped3A : memref<!tpu.dma_semaphore, #tpu.memory_space<semaphore_mem>>)
      %dma_wait3A = arith.constant 0 : i32
      %dma_wait3A_56 = arith.constant 0 : i32
      %dma_wait3A_57 = tpu.memref_slice %arg4[%add3A, %dma_wait3A, %dma_wait3A_56] : memref<32x80x128xi32, #tpu.memory_space<hbm>> -> memref<1x80x128xi32, #tpu.memory_space<hbm>>
      %dma_wait3A_58 = tpu.memref_squeeze %dma_wait3A_57 : memref<1x80x128xi32, #tpu.memory_space<hbm>> -> memref<80x128xi32, #tpu.memory_space<hbm>>
      %dma_wait3A_59 = arith.constant 40 : i32
      %dma_wait3A_60 = arith.constant 0 : i32
      %dma_wait3A_61 = tpu.memref_slice %dma_wait3A_58[%dma_wait3A_59, %dma_wait3A_60] : memref<80x128xi32, #tpu.memory_space<hbm>> -> memref<40x128xi32, #tpu.memory_space<hbm>>
      %dma_wait3A_62 = arith.constant 0 : i32
      %dma_wait3A_63 = arith.constant 0 : i32
      %dma_wait3A_64 = tpu.memref_slice %arg4[%add3A, %dma_wait3A_62, %dma_wait3A_63] : memref<32x80x128xi32, #tpu.memory_space<hbm>> -> memref<1x80x128xi32, #tpu.memory_space<hbm>>
      %dma_wait3A_65 = tpu.memref_squeeze %dma_wait3A_64 : memref<1x80x128xi32, #tpu.memory_space<hbm>> -> memref<80x128xi32, #tpu.memory_space<hbm>>
      %dma_wait3A_66 = arith.constant 40 : i32
      %dma_wait3A_67 = arith.constant 0 : i32
      %dma_wait3A_68 = tpu.memref_slice %dma_wait3A_65[%dma_wait3A_66, %dma_wait3A_67] : memref<80x128xi32, #tpu.memory_space<hbm>> -> memref<40x128xi32, #tpu.memory_space<hbm>>
      tpu.wait_dma2 semaphore(%run_scoped3A : memref<!tpu.dma_semaphore, #tpu.memory_space<semaphore_mem>>) src(%dma_wait3A_68 : memref<40x128xi32, #tpu.memory_space<hbm>>) dst(%arg8 : memref<40x128xi32, #tpu.memory_space<vmem>>)
      tpu.yield
    }) : () -> ()
    %dma_start3A_20 = arith.constant 0 : i32
    %dma_start3A_21 = arith.constant 0 : i32
    %dma_start3A_22 = arith.constant 0 : i32
    %dma_start3A_23 = arith.constant 0 : i32
    %dma_start3A_24 = tpu.memref_slice %arg9[%dma_start3A_21, %dma_start3A_22, %dma_start3A_23] : memref<2x128x128xf32, #tpu.memory_space<vmem>> -> memref<1x128x128xf32, #tpu.memory_space<vmem>>
    %dma_start3A_25 = tpu.memref_squeeze %dma_start3A_24 : memref<1x128x128xf32, #tpu.memory_space<vmem>> -> memref<128x128xf32, #tpu.memory_space<vmem>>
    %dma_start3A_26 = arith.constant 0 : i32
    %dma_start3A_27 = tpu.memref_slice %arg7[%dma_start3A_20, %dma_start3A_26] : memref<40x128xi32, #tpu.memory_space<vmem>> -> memref<1x128xi32, #tpu.memory_space<vmem>>
    %dma_start3A_28 = tpu.memref_squeeze %dma_start3A_27 : memref<1x128xi32, #tpu.memory_space<vmem>> -> memref<128xi32, #tpu.memory_space<vmem>>
    %dma_start3A_29 = arith.constant 0 : i32
    %dma_start3A_30 = arith.constant 0 : i32
    %dma_start3A_31 = tpu.memref_slice %arg2[%dma_start3A_29, %dma_start3A_30] : memref<10240x128xf32, #tpu.memory_space<hbm>> -> memref<10240x128xf32, #tpu.memory_space<hbm>>
    tpu.enqueue_indirect_dma source(%dma_start3A_31 : memref<10240x128xf32, #tpu.memory_space<hbm>>) target(%dma_start3A_25 : memref<128x128xf32, #tpu.memory_space<vmem>>) offsets(%dma_start3A_28 : memref<128xi32, #tpu.memory_space<vmem>>) semaphore(%arg11 : memref<!tpu.dma_semaphore, #tpu.memory_space<semaphore_mem>>)
    %scan3A_32 = arith.constant 0 : i32
    %scan3A_33 = arith.constant 20 : i32
    %scan3A_34 = arith.addi %scan3A_32, %scan3A_33 : i32
    %scan3A_35 = arith.constant 1 : i32
    scf.for %scan3A_42 = %scan3A_32 to %scan3A_34 step %scan3A_35  : i32 {
      %mul3A_43 = arith.constant 1 : i32
      %mul3A_44 = arith.muli %scan3A_42, %mul3A_43 : i32
      %add3A_45 = arith.constant 0 : i32
      %add3A_46 = arith.addi %add3A_45, %mul3A_44 : i32
      %mul3A_47 = arith.constant 2 : i32
      %mul3A_48 = arith.muli %add3A_46, %mul3A_47 : i32
      %add3A_49 = arith.constant 1 : i32
      %add3A_50 = arith.addi %mul3A_48, %add3A_49 : i32
      %dma_start3A_51 = arith.constant 1 : i32
      %dma_start3A_52 = arith.constant 0 : i32
      %dma_start3A_53 = arith.constant 0 : i32
      %dma_start3A_54 = tpu.memref_slice %arg9[%dma_start3A_51, %dma_start3A_52, %dma_start3A_53] : memref<2x128x128xf32, #tpu.memory_space<vmem>> -> memref<1x128x128xf32, #tpu.memory_space<vmem>>
      %dma_start3A_55 = tpu.memref_squeeze %dma_start3A_54 : memref<1x128x128xf32, #tpu.memory_space<vmem>> -> memref<128x128xf32, #tpu.memory_space<vmem>>
      %dma_start3A_56 = arith.constant 0 : i32
      %dma_start3A_57 = tpu.memref_slice %arg7[%add3A_50, %dma_start3A_56] : memref<40x128xi32, #tpu.memory_space<vmem>> -> memref<1x128xi32, #tpu.memory_space<vmem>>
      %dma_start3A_58 = tpu.memref_squeeze %dma_start3A_57 : memref<1x128xi32, #tpu.memory_space<vmem>> -> memref<128xi32, #tpu.memory_space<vmem>>
      %dma_start3A_59 = arith.constant 0 : i32
      %dma_start3A_60 = arith.constant 0 : i32
      %dma_start3A_61 = tpu.memref_slice %arg2[%dma_start3A_59, %dma_start3A_60] : memref<10240x128xf32, #tpu.memory_space<hbm>> -> memref<10240x128xf32, #tpu.memory_space<hbm>>
      tpu.enqueue_indirect_dma source(%dma_start3A_61 : memref<10240x128xf32, #tpu.memory_space<hbm>>) target(%dma_start3A_55 : memref<128x128xf32, #tpu.memory_space<vmem>>) offsets(%dma_start3A_58 : memref<128xi32, #tpu.memory_space<vmem>>) semaphore(%arg12 : memref<!tpu.dma_semaphore, #tpu.memory_space<semaphore_mem>>)
      %dma_wait3A = arith.constant 0 : i32
      %dma_wait3A_62 = arith.constant 0 : i32
      %dma_wait3A_63 = arith.constant 0 : i32
      %dma_wait3A_64 = tpu.memref_slice %arg9[%dma_wait3A, %dma_wait3A_62, %dma_wait3A_63] : memref<2x128x128xf32, #tpu.memory_space<vmem>> -> memref<1x128x128xf32, #tpu.memory_space<vmem>>
      %dma_wait3A_65 = tpu.memref_squeeze %dma_wait3A_64 : memref<1x128x128xf32, #tpu.memory_space<vmem>> -> memref<128x128xf32, #tpu.memory_space<vmem>>
      %dma_wait3A_66 = arith.constant 0 : i32
      %dma_wait3A_67 = tpu.memref_slice %arg7[%mul3A_48, %dma_wait3A_66] : memref<40x128xi32, #tpu.memory_space<vmem>> -> memref<1x128xi32, #tpu.memory_space<vmem>>
      %dma_wait3A_68 = tpu.memref_squeeze %dma_wait3A_67 : memref<1x128xi32, #tpu.memory_space<vmem>> -> memref<128xi32, #tpu.memory_space<vmem>>
      %dma_wait3A_69 = arith.constant 0 : i32
      %dma_wait3A_70 = arith.constant 0 : i32
      %dma_wait3A_71 = tpu.memref_slice %arg2[%dma_wait3A_69, %dma_wait3A_70] : memref<10240x128xf32, #tpu.memory_space<hbm>> -> memref<10240x128xf32, #tpu.memory_space<hbm>>
      tpu.wait_indirect_dma semaphore(%arg11 : memref<!tpu.dma_semaphore, #tpu.memory_space<semaphore_mem>>) src(%dma_wait3A_71 : memref<10240x128xf32, #tpu.memory_space<hbm>>) dst(%dma_wait3A_65 : memref<128x128xf32, #tpu.memory_space<vmem>>)
      %run_scoped3A = arith.constant 0 : i32
      "tpu.region"() ({
        %run_scoped3A_90 = tpu.sem_alloc : memref<!tpu.dma_semaphore, #tpu.memory_space<semaphore_mem>>
        %dma_start3A_91 = arith.constant 0 : i32
        %dma_start3A_92 = arith.constant 0 : i32
        %dma_start3A_93 = tpu.memref_slice %arg9[%run_scoped3A, %dma_start3A_91, %dma_start3A_92] : memref<2x128x128xf32, #tpu.memory_space<vmem>> -> memref<1x128x128xf32, #tpu.memory_space<vmem>>
        %dma_start3A_94 = tpu.memref_squeeze %dma_start3A_93 : memref<1x128x128xf32, #tpu.memory_space<vmem>> -> memref<128x128xf32, #tpu.memory_space<vmem>>
        %dma_start3A_95 = arith.constant 0 : i32
        %dma_start3A_96 = tpu.memref_slice %arg8[%mul3A_48, %dma_start3A_95] : memref<40x128xi32, #tpu.memory_space<vmem>> -> memref<1x128xi32, #tpu.memory_space<vmem>>
        %dma_start3A_97 = tpu.memref_squeeze %dma_start3A_96 : memref<1x128xi32, #tpu.memory_space<vmem>> -> memref<128xi32, #tpu.memory_space<vmem>>
        %dma_start3A_98 = arith.constant 0 : i32
        %dma_start3A_99 = arith.constant 0 : i32
        %dma_start3A_100 = tpu.memref_slice %arg10[%dma_start3A_98, %dma_start3A_99] : memref<10240x128xf32, #tpu.memory_space<vmem_shared>> -> memref<10240x128xf32, #tpu.memory_space<vmem_shared>>
        tpu.enqueue_indirect_dma source(%dma_start3A_94 : memref<128x128xf32, #tpu.memory_space<vmem>>) target(%dma_start3A_100 : memref<10240x128xf32, #tpu.memory_space<vmem_shared>>) offsets(%dma_start3A_97 : memref<128xi32, #tpu.memory_space<vmem>>) semaphore(%run_scoped3A_90 : memref<!tpu.dma_semaphore, #tpu.memory_space<semaphore_mem>>) {add = true}
        %dma_wait3A_101 = arith.constant 0 : i32
        %dma_wait3A_102 = arith.constant 0 : i32
        %dma_wait3A_103 = tpu.memref_slice %arg9[%run_scoped3A, %dma_wait3A_101, %dma_wait3A_102] : memref<2x128x128xf32, #tpu.memory_space<vmem>> -> memref<1x128x128xf32, #tpu.memory_space<vmem>>
        %dma_wait3A_104 = tpu.memref_squeeze %dma_wait3A_103 : memref<1x128x128xf32, #tpu.memory_space<vmem>> -> memref<128x128xf32, #tpu.memory_space<vmem>>
        %dma_wait3A_105 = arith.constant 0 : i32
        %dma_wait3A_106 = tpu.memref_slice %arg8[%mul3A_48, %dma_wait3A_105] : memref<40x128xi32, #tpu.memory_space<vmem>> -> memref<1x128xi32, #tpu.memory_space<vmem>>
        %dma_wait3A_107 = tpu.memref_squeeze %dma_wait3A_106 : memref<1x128xi32, #tpu.memory_space<vmem>> -> memref<128xi32, #tpu.memory_space<vmem>>
        %dma_wait3A_108 = arith.constant 0 : i32
        %dma_wait3A_109 = arith.constant 0 : i32
        %dma_wait3A_110 = tpu.memref_slice %arg10[%dma_wait3A_108, %dma_wait3A_109] : memref<10240x128xf32, #tpu.memory_space<vmem_shared>> -> memref<10240x128xf32, #tpu.memory_space<vmem_shared>>
        tpu.wait_indirect_dma semaphore(%run_scoped3A_90 : memref<!tpu.dma_semaphore, #tpu.memory_space<semaphore_mem>>) src(%dma_wait3A_104 : memref<128x128xf32, #tpu.memory_space<vmem>>) dst(%dma_wait3A_110 : memref<10240x128xf32, #tpu.memory_space<vmem_shared>>)
        tpu.yield
      }) : () -> ()
      %add3A_72 = arith.constant 2 : i32
      %add3A_73 = arith.addi %mul3A_48, %add3A_72 : i32
      %lt3A = arith.constant 40 : i32
      %lt3A_74 = arith.cmpi slt, %add3A_73, %lt3A : i32
      %convert_element_type3A = arith.extui %lt3A_74 : i1 to i32
      %cond3A = arith.constant 0 : i32
      %cond3A_75 = arith.cmpi ne, %convert_element_type3A, %cond3A : i32
      scf.if %cond3A_75 {
        %add3A_90 = arith.constant 2 : i32
        %add3A_91 = arith.addi %mul3A_48, %add3A_90 : i32
        %dma_start3A_92 = arith.constant 0 : i32
        %dma_start3A_93 = arith.constant 0 : i32
        %dma_start3A_94 = arith.constant 0 : i32
        %dma_start3A_95 = tpu.memref_slice %arg9[%dma_start3A_92, %dma_start3A_93, %dma_start3A_94] : memref<2x128x128xf32, #tpu.memory_space<vmem>> -> memref<1x128x128xf32, #tpu.memory_space<vmem>>
        %dma_start3A_96 = tpu.memref_squeeze %dma_start3A_95 : memref<1x128x128xf32, #tpu.memory_space<vmem>> -> memref<128x128xf32, #tpu.memory_space<vmem>>
        %dma_start3A_97 = arith.constant 0 : i32
        %dma_start3A_98 = tpu.memref_slice %arg7[%add3A_91, %dma_start3A_97] : memref<40x128xi32, #tpu.memory_space<vmem>> -> memref<1x128xi32, #tpu.memory_space<vmem>>
        %dma_start3A_99 = tpu.memref_squeeze %dma_start3A_98 : memref<1x128xi32, #tpu.memory_space<vmem>> -> memref<128xi32, #tpu.memory_space<vmem>>
        %dma_start3A_100 = arith.constant 0 : i32
        %dma_start3A_101 = arith.constant 0 : i32
        %dma_start3A_102 = tpu.memref_slice %arg2[%dma_start3A_100, %dma_start3A_101] : memref<10240x128xf32, #tpu.memory_space<hbm>> -> memref<10240x128xf32, #tpu.memory_space<hbm>>
        tpu.enqueue_indirect_dma source(%dma_start3A_102 : memref<10240x128xf32, #tpu.memory_space<hbm>>) target(%dma_start3A_96 : memref<128x128xf32, #tpu.memory_space<vmem>>) offsets(%dma_start3A_99 : memref<128xi32, #tpu.memory_space<vmem>>) semaphore(%arg11 : memref<!tpu.dma_semaphore, #tpu.memory_space<semaphore_mem>>)
      } else {
      }
      %add3A_76 = arith.constant 1 : i32
      %add3A_77 = arith.addi %mul3A_48, %add3A_76 : i32
      %dma_wait3A_78 = arith.constant 1 : i32
      %dma_wait3A_79 = arith.constant 0 : i32
      %dma_wait3A_80 = arith.constant 0 : i32
      %dma_wait3A_81 = tpu.memref_slice %arg9[%dma_wait3A_78, %dma_wait3A_79, %dma_wait3A_80] : memref<2x128x128xf32, #tpu.memory_space<vmem>> -> memref<1x128x128xf32, #tpu.memory_space<vmem>>
      %dma_wait3A_82 = tpu.memref_squeeze %dma_wait3A_81 : memref<1x128x128xf32, #tpu.memory_space<vmem>> -> memref<128x128xf32, #tpu.memory_space<vmem>>
      %dma_wait3A_83 = arith.constant 0 : i32
      %dma_wait3A_84 = tpu.memref_slice %arg7[%add3A_77, %dma_wait3A_83] : memref<40x128xi32, #tpu.memory_space<vmem>> -> memref<1x128xi32, #tpu.memory_space<vmem>>
      %dma_wait3A_85 = tpu.memref_squeeze %dma_wait3A_84 : memref<1x128xi32, #tpu.memory_space<vmem>> -> memref<128xi32, #tpu.memory_space<vmem>>
      %dma_wait3A_86 = arith.constant 0 : i32
      %dma_wait3A_87 = arith.constant 0 : i32
      %dma_wait3A_88 = tpu.memref_slice %arg2[%dma_wait3A_86, %dma_wait3A_87] : memref<10240x128xf32, #tpu.memory_space<hbm>> -> memref<10240x128xf32, #tpu.memory_space<hbm>>
      tpu.wait_indirect_dma semaphore(%arg12 : memref<!tpu.dma_semaphore, #tpu.memory_space<semaphore_mem>>) src(%dma_wait3A_88 : memref<10240x128xf32, #tpu.memory_space<hbm>>) dst(%dma_wait3A_82 : memref<128x128xf32, #tpu.memory_space<vmem>>)
      %run_scoped3A_89 = arith.constant 1 : i32
      "tpu.region"() ({
        %run_scoped3A_90 = tpu.sem_alloc : memref<!tpu.dma_semaphore, #tpu.memory_space<semaphore_mem>>
        %dma_start3A_91 = arith.constant 0 : i32
        %dma_start3A_92 = arith.constant 0 : i32
        %dma_start3A_93 = tpu.memref_slice %arg9[%run_scoped3A_89, %dma_start3A_91, %dma_start3A_92] : memref<2x128x128xf32, #tpu.memory_space<vmem>> -> memref<1x128x128xf32, #tpu.memory_space<vmem>>
        %dma_start3A_94 = tpu.memref_squeeze %dma_start3A_93 : memref<1x128x128xf32, #tpu.memory_space<vmem>> -> memref<128x128xf32, #tpu.memory_space<vmem>>
        %dma_start3A_95 = arith.constant 0 : i32
        %dma_start3A_96 = tpu.memref_slice %arg8[%add3A_77, %dma_start3A_95] : memref<40x128xi32, #tpu.memory_space<vmem>> -> memref<1x128xi32, #tpu.memory_space<vmem>>
        %dma_start3A_97 = tpu.memref_squeeze %dma_start3A_96 : memref<1x128xi32, #tpu.memory_space<vmem>> -> memref<128xi32, #tpu.memory_space<vmem>>
        %dma_start3A_98 = arith.constant 0 : i32
        %dma_start3A_99 = arith.constant 0 : i32
        %dma_start3A_100 = tpu.memref_slice %arg10[%dma_start3A_98, %dma_start3A_99] : memref<10240x128xf32, #tpu.memory_space<vmem_shared>> -> memref<10240x128xf32, #tpu.memory_space<vmem_shared>>
        tpu.enqueue_indirect_dma source(%dma_start3A_94 : memref<128x128xf32, #tpu.memory_space<vmem>>) target(%dma_start3A_100 : memref<10240x128xf32, #tpu.memory_space<vmem_shared>>) offsets(%dma_start3A_97 : memref<128xi32, #tpu.memory_space<vmem>>) semaphore(%run_scoped3A_90 : memref<!tpu.dma_semaphore, #tpu.memory_space<semaphore_mem>>) {add = true}
        %dma_wait3A_101 = arith.constant 0 : i32
        %dma_wait3A_102 = arith.constant 0 : i32
        %dma_wait3A_103 = tpu.memref_slice %arg9[%run_scoped3A_89, %dma_wait3A_101, %dma_wait3A_102] : memref<2x128x128xf32, #tpu.memory_space<vmem>> -> memref<1x128x128xf32, #tpu.memory_space<vmem>>
        %dma_wait3A_104 = tpu.memref_squeeze %dma_wait3A_103 : memref<1x128x128xf32, #tpu.memory_space<vmem>> -> memref<128x128xf32, #tpu.memory_space<vmem>>
        %dma_wait3A_105 = arith.constant 0 : i32
        %dma_wait3A_106 = tpu.memref_slice %arg8[%add3A_77, %dma_wait3A_105] : memref<40x128xi32, #tpu.memory_space<vmem>> -> memref<1x128xi32, #tpu.memory_space<vmem>>
        %dma_wait3A_107 = tpu.memref_squeeze %dma_wait3A_106 : memref<1x128xi32, #tpu.memory_space<vmem>> -> memref<128xi32, #tpu.memory_space<vmem>>
        %dma_wait3A_108 = arith.constant 0 : i32
        %dma_wait3A_109 = arith.constant 0 : i32
        %dma_wait3A_110 = tpu.memref_slice %arg10[%dma_wait3A_108, %dma_wait3A_109] : memref<10240x128xf32, #tpu.memory_space<vmem_shared>> -> memref<10240x128xf32, #tpu.memory_space<vmem_shared>>
        tpu.wait_indirect_dma semaphore(%run_scoped3A_90 : memref<!tpu.dma_semaphore, #tpu.memory_space<semaphore_mem>>) src(%dma_wait3A_104 : memref<128x128xf32, #tpu.memory_space<vmem>>) dst(%dma_wait3A_110 : memref<10240x128xf32, #tpu.memory_space<vmem_shared>>)
        tpu.yield
      }) : () -> ()
    }
    %scan3A_36 = arith.constant 20 : i32
    %barrier3A_37 = arith.constant 0 : index
    tpu.barrier barrier_id(%barrier3A_37)
    %mul3A_38 = arith.constant 640 : i32
    %mul3A_39 = arith.muli %arg1, %mul3A_38 : i32
    %mul3A_40 = arith.constant 640 : i32
    %mul3A_41 = arith.muli %arg1, %mul3A_40 : i32
    "tpu.region"() ({
      %run_scoped3A = tpu.sem_alloc : memref<!tpu.dma_semaphore, #tpu.memory_space<semaphore_mem>>
      %dma_start3A_42 = arith.constant 0 : i32
      %dma_start3A_43 = arith.constant 0 : i32
      %dma_start3A_44 = tpu.memref_slice %arg6[%arg0, %dma_start3A_42, %dma_start3A_43] : memref<2x10240x128xf32, #tpu.memory_space<hbm>> -> memref<1x10240x128xf32, #tpu.memory_space<hbm>>
      %dma_start3A_45 = tpu.memref_squeeze %dma_start3A_44 : memref<1x10240x128xf32, #tpu.memory_space<hbm>> -> memref<10240x128xf32, #tpu.memory_space<hbm>>
      %dma_start3A_46 = arith.constant 0 : i32
      %dma_start3A_47 = tpu.memref_slice %dma_start3A_45[%mul3A_41, %dma_start3A_46] : memref<10240x128xf32, #tpu.memory_space<hbm>> -> memref<640x128xf32, #tpu.memory_space<hbm>>
      %dma_start3A_48 = arith.constant 0 : i32
      %dma_start3A_49 = tpu.memref_slice %arg10[%mul3A_39, %dma_start3A_48] : memref<10240x128xf32, #tpu.memory_space<vmem_shared>> -> memref<640x128xf32, #tpu.memory_space<vmem_shared>>
      tpu.enqueue_dma source(%dma_start3A_49 : memref<640x128xf32, #tpu.memory_space<vmem_shared>>) target(%dma_start3A_47 : memref<640x128xf32, #tpu.memory_space<hbm>>) target_semaphore(%run_scoped3A : memref<!tpu.dma_semaphore, #tpu.memory_space<semaphore_mem>>)
      %dma_wait3A = arith.constant 0 : i32
      %dma_wait3A_50 = arith.constant 0 : i32
      %dma_wait3A_51 = tpu.memref_slice %arg6[%arg0, %dma_wait3A, %dma_wait3A_50] : memref<2x10240x128xf32, #tpu.memory_space<hbm>> -> memref<1x10240x128xf32, #tpu.memory_space<hbm>>
      %dma_wait3A_52 = tpu.memref_squeeze %dma_wait3A_51 : memref<1x10240x128xf32, #tpu.memory_space<hbm>> -> memref<10240x128xf32, #tpu.memory_space<hbm>>
      %dma_wait3A_53 = arith.constant 0 : i32
      %dma_wait3A_54 = tpu.memref_slice %dma_wait3A_52[%mul3A_41, %dma_wait3A_53] : memref<10240x128xf32, #tpu.memory_space<hbm>> -> memref<640x128xf32, #tpu.memory_space<hbm>>
      %dma_wait3A_55 = arith.constant 0 : i32
      %dma_wait3A_56 = tpu.memref_slice %arg10[%mul3A_39, %dma_wait3A_55] : memref<10240x128xf32, #tpu.memory_space<vmem_shared>> -> memref<640x128xf32, #tpu.memory_space<vmem_shared>>
      tpu.wait_dma2 semaphore(%run_scoped3A : memref<!tpu.dma_semaphore, #tpu.memory_space<semaphore_mem>>) src(%dma_wait3A_56 : memref<640x128xf32, #tpu.memory_space<vmem_shared>>) dst(%dma_wait3A_54 : memref<640x128xf32, #tpu.memory_space<hbm>>)
      tpu.yield
    }) : () -> ()
    return
  }
}

#map = affine_map<(d0, d1) -> (0, 0)>
#map1 = affine_map<(d0, d1) -> (0, 0, 0)>
module attributes {stable_mosaic.version = 14 : i64} {
  func.func @scatter_r(%arg0: i32, %arg1: i32, %arg2: memref<327680x128xf32, #tpu.memory_space<hbm>>, %arg3: memref<32x80x128xi32, #tpu.memory_space<hbm>>, %arg4: memref<10240x128xf32, #tpu.memory_space<hbm>>, %arg5: memref<2x10240x128xf32, #tpu.memory_space<hbm>>, %arg6: memref<80x128xi32, #tpu.memory_space<vmem>>, %arg7: memref<2x128x128xf32, #tpu.memory_space<vmem>>, %arg8: memref<10240x128xf32, #tpu.memory_space<vmem_shared>>, %arg9: memref<!tpu.dma_semaphore, #tpu.memory_space<semaphore_mem>>, %arg10: memref<!tpu.dma_semaphore, #tpu.memory_space<semaphore_mem>>) attributes {dimension_semantics = [#tpu.dimension_semantics<core_parallel>, #tpu.dimension_semantics<subcore_parallel>], iteration_bounds = array<i64: 2, 16>, scalar_prefetch = 0 : i64, scratch_operands = 5 : i64, tpu.core_type = #tpu.core_type<sc_vector_subcore>, window_params = [{transform_indices = #map}, {transform_indices = #map1}, {transform_indices = #map}, {transform_indices = #map1}]} {
    %mul3A = arith.constant 2 : i32
    %mul3A_0 = arith.muli %arg1, %mul3A : i32
    %add3A = arith.addi %mul3A_0, %arg0 : i32
    %mul3A_1 = arith.constant 10240 : i32
    %mul3A_2 = arith.muli %add3A, %mul3A_1 : i32
    "tpu.region"() ({
      %run_scoped3A = tpu.sem_alloc : memref<!tpu.dma_semaphore, #tpu.memory_space<semaphore_mem>>
      %dma_start3A_30 = arith.constant 0 : i32
      %dma_start3A_31 = arith.constant 0 : i32
      %dma_start3A_32 = tpu.memref_slice %arg3[%add3A, %dma_start3A_30, %dma_start3A_31] : memref<32x80x128xi32, #tpu.memory_space<hbm>> -> memref<1x80x128xi32, #tpu.memory_space<hbm>>
      %dma_start3A_33 = tpu.memref_squeeze %dma_start3A_32 : memref<1x80x128xi32, #tpu.memory_space<hbm>> -> memref<80x128xi32, #tpu.memory_space<hbm>>
      %dma_start3A_34 = arith.constant 0 : i32
      %dma_start3A_35 = arith.constant 0 : i32
      %dma_start3A_36 = tpu.memref_slice %arg3[%add3A, %dma_start3A_34, %dma_start3A_35] : memref<32x80x128xi32, #tpu.memory_space<hbm>> -> memref<1x80x128xi32, #tpu.memory_space<hbm>>
      %dma_start3A_37 = tpu.memref_squeeze %dma_start3A_36 : memref<1x80x128xi32, #tpu.memory_space<hbm>> -> memref<80x128xi32, #tpu.memory_space<hbm>>
      tpu.enqueue_dma source(%dma_start3A_37 : memref<80x128xi32, #tpu.memory_space<hbm>>) target(%arg6 : memref<80x128xi32, #tpu.memory_space<vmem>>) target_semaphore(%run_scoped3A : memref<!tpu.dma_semaphore, #tpu.memory_space<semaphore_mem>>)
      %dma_wait3A = arith.constant 0 : i32
      %dma_wait3A_38 = arith.constant 0 : i32
      %dma_wait3A_39 = tpu.memref_slice %arg3[%add3A, %dma_wait3A, %dma_wait3A_38] : memref<32x80x128xi32, #tpu.memory_space<hbm>> -> memref<1x80x128xi32, #tpu.memory_space<hbm>>
      %dma_wait3A_40 = tpu.memref_squeeze %dma_wait3A_39 : memref<1x80x128xi32, #tpu.memory_space<hbm>> -> memref<80x128xi32, #tpu.memory_space<hbm>>
      %dma_wait3A_41 = arith.constant 0 : i32
      %dma_wait3A_42 = arith.constant 0 : i32
      %dma_wait3A_43 = tpu.memref_slice %arg3[%add3A, %dma_wait3A_41, %dma_wait3A_42] : memref<32x80x128xi32, #tpu.memory_space<hbm>> -> memref<1x80x128xi32, #tpu.memory_space<hbm>>
      %dma_wait3A_44 = tpu.memref_squeeze %dma_wait3A_43 : memref<1x80x128xi32, #tpu.memory_space<hbm>> -> memref<80x128xi32, #tpu.memory_space<hbm>>
      tpu.wait_dma2 semaphore(%run_scoped3A : memref<!tpu.dma_semaphore, #tpu.memory_space<semaphore_mem>>) src(%dma_wait3A_44 : memref<80x128xi32, #tpu.memory_space<hbm>>) dst(%arg6 : memref<80x128xi32, #tpu.memory_space<vmem>>)
      tpu.yield
    }) : () -> ()
    %mul3A_3 = arith.constant 640 : i32
    %mul3A_4 = arith.muli %arg1, %mul3A_3 : i32
    %mul3A_5 = arith.constant 640 : i32
    %mul3A_6 = arith.muli %arg1, %mul3A_5 : i32
    "tpu.region"() ({
      %run_scoped3A = tpu.sem_alloc : memref<!tpu.dma_semaphore, #tpu.memory_space<semaphore_mem>>
      %dma_start3A_30 = arith.constant 0 : i32
      %dma_start3A_31 = tpu.memref_slice %arg8[%mul3A_6, %dma_start3A_30] : memref<10240x128xf32, #tpu.memory_space<vmem_shared>> -> memref<640x128xf32, #tpu.memory_space<vmem_shared>>
      %dma_start3A_32 = arith.constant 0 : i32
      %dma_start3A_33 = tpu.memref_slice %arg4[%mul3A_4, %dma_start3A_32] : memref<10240x128xf32, #tpu.memory_space<hbm>> -> memref<640x128xf32, #tpu.memory_space<hbm>>
      tpu.enqueue_dma source(%dma_start3A_33 : memref<640x128xf32, #tpu.memory_space<hbm>>) target(%dma_start3A_31 : memref<640x128xf32, #tpu.memory_space<vmem_shared>>) target_semaphore(%run_scoped3A : memref<!tpu.dma_semaphore, #tpu.memory_space<semaphore_mem>>)
      %dma_wait3A = arith.constant 0 : i32
      %dma_wait3A_34 = tpu.memref_slice %arg8[%mul3A_6, %dma_wait3A] : memref<10240x128xf32, #tpu.memory_space<vmem_shared>> -> memref<640x128xf32, #tpu.memory_space<vmem_shared>>
      %dma_wait3A_35 = arith.constant 0 : i32
      %dma_wait3A_36 = tpu.memref_slice %arg4[%mul3A_4, %dma_wait3A_35] : memref<10240x128xf32, #tpu.memory_space<hbm>> -> memref<640x128xf32, #tpu.memory_space<hbm>>
      tpu.wait_dma2 semaphore(%run_scoped3A : memref<!tpu.dma_semaphore, #tpu.memory_space<semaphore_mem>>) src(%dma_wait3A_36 : memref<640x128xf32, #tpu.memory_space<hbm>>) dst(%dma_wait3A_34 : memref<640x128xf32, #tpu.memory_space<vmem_shared>>)
      tpu.yield
    }) : () -> ()
    %barrier3A = arith.constant 0 : index
    tpu.barrier barrier_id(%barrier3A)
    %add3A_7 = arith.constant 0 : i32
    %add3A_8 = arith.addi %mul3A_2, %add3A_7 : i32
    %dma_start3A = arith.constant 0 : i32
    %dma_start3A_9 = arith.constant 0 : i32
    %dma_start3A_10 = arith.constant 0 : i32
    %dma_start3A_11 = tpu.memref_slice %arg7[%dma_start3A, %dma_start3A_9, %dma_start3A_10] : memref<2x128x128xf32, #tpu.memory_space<vmem>> -> memref<1x128x128xf32, #tpu.memory_space<vmem>>
    %dma_start3A_12 = tpu.memref_squeeze %dma_start3A_11 : memref<1x128x128xf32, #tpu.memory_space<vmem>> -> memref<128x128xf32, #tpu.memory_space<vmem>>
    %dma_start3A_13 = arith.constant 0 : i32
    %dma_start3A_14 = tpu.memref_slice %arg2[%add3A_8, %dma_start3A_13] : memref<327680x128xf32, #tpu.memory_space<hbm>> -> memref<128x128xf32, #tpu.memory_space<hbm>>
    %dma_start3A_15 = arith.constant 0 : i32
    %dma_start3A_16 = arith.constant 0 : i32
    %dma_start3A_17 = tpu.memref_slice %arg7[%dma_start3A, %dma_start3A_15, %dma_start3A_16] : memref<2x128x128xf32, #tpu.memory_space<vmem>> -> memref<1x128x128xf32, #tpu.memory_space<vmem>>
    %dma_start3A_18 = tpu.memref_squeeze %dma_start3A_17 : memref<1x128x128xf32, #tpu.memory_space<vmem>> -> memref<128x128xf32, #tpu.memory_space<vmem>>
    %dma_start3A_19 = arith.constant 0 : i32
    %dma_start3A_20 = tpu.memref_slice %arg2[%add3A_8, %dma_start3A_19] : memref<327680x128xf32, #tpu.memory_space<hbm>> -> memref<128x128xf32, #tpu.memory_space<hbm>>
    tpu.enqueue_dma source(%dma_start3A_20 : memref<128x128xf32, #tpu.memory_space<hbm>>) target(%dma_start3A_18 : memref<128x128xf32, #tpu.memory_space<vmem>>) target_semaphore(%arg9 : memref<!tpu.dma_semaphore, #tpu.memory_space<semaphore_mem>>)
    %scan3A = arith.constant 0 : i32
    %scan3A_21 = arith.constant 40 : i32
    %scan3A_22 = arith.addi %scan3A, %scan3A_21 : i32
    %scan3A_23 = arith.constant 1 : i32
    scf.for %scan3A_30 = %scan3A to %scan3A_22 step %scan3A_23  : i32 {
      %mul3A_31 = arith.constant 1 : i32
      %mul3A_32 = arith.muli %scan3A_30, %mul3A_31 : i32
      %add3A_33 = arith.constant 0 : i32
      %add3A_34 = arith.addi %add3A_33, %mul3A_32 : i32
      %mul3A_35 = arith.constant 2 : i32
      %mul3A_36 = arith.muli %add3A_34, %mul3A_35 : i32
      %add3A_37 = arith.constant 1 : i32
      %add3A_38 = arith.addi %mul3A_36, %add3A_37 : i32
      %mul3A_39 = arith.constant 128 : i32
      %mul3A_40 = arith.muli %add3A_38, %mul3A_39 : i32
      %add3A_41 = arith.addi %mul3A_2, %mul3A_40 : i32
      %dma_start3A_42 = arith.constant 1 : i32
      %dma_start3A_43 = arith.constant 0 : i32
      %dma_start3A_44 = arith.constant 0 : i32
      %dma_start3A_45 = tpu.memref_slice %arg7[%dma_start3A_42, %dma_start3A_43, %dma_start3A_44] : memref<2x128x128xf32, #tpu.memory_space<vmem>> -> memref<1x128x128xf32, #tpu.memory_space<vmem>>
      %dma_start3A_46 = tpu.memref_squeeze %dma_start3A_45 : memref<1x128x128xf32, #tpu.memory_space<vmem>> -> memref<128x128xf32, #tpu.memory_space<vmem>>
      %dma_start3A_47 = arith.constant 0 : i32
      %dma_start3A_48 = tpu.memref_slice %arg2[%add3A_41, %dma_start3A_47] : memref<327680x128xf32, #tpu.memory_space<hbm>> -> memref<128x128xf32, #tpu.memory_space<hbm>>
      %dma_start3A_49 = arith.constant 0 : i32
      %dma_start3A_50 = arith.constant 0 : i32
      %dma_start3A_51 = tpu.memref_slice %arg7[%dma_start3A_42, %dma_start3A_49, %dma_start3A_50] : memref<2x128x128xf32, #tpu.memory_space<vmem>> -> memref<1x128x128xf32, #tpu.memory_space<vmem>>
      %dma_start3A_52 = tpu.memref_squeeze %dma_start3A_51 : memref<1x128x128xf32, #tpu.memory_space<vmem>> -> memref<128x128xf32, #tpu.memory_space<vmem>>
      %dma_start3A_53 = arith.constant 0 : i32
      %dma_start3A_54 = tpu.memref_slice %arg2[%add3A_41, %dma_start3A_53] : memref<327680x128xf32, #tpu.memory_space<hbm>> -> memref<128x128xf32, #tpu.memory_space<hbm>>
      tpu.enqueue_dma source(%dma_start3A_54 : memref<128x128xf32, #tpu.memory_space<hbm>>) target(%dma_start3A_52 : memref<128x128xf32, #tpu.memory_space<vmem>>) target_semaphore(%arg10 : memref<!tpu.dma_semaphore, #tpu.memory_space<semaphore_mem>>)
      %dma_wait3A = arith.constant 0 : i32
      %dma_wait3A_55 = arith.constant 0 : i32
      %dma_wait3A_56 = arith.constant 0 : i32
      %dma_wait3A_57 = tpu.memref_slice %arg7[%dma_wait3A, %dma_wait3A_55, %dma_wait3A_56] : memref<2x128x128xf32, #tpu.memory_space<vmem>> -> memref<1x128x128xf32, #tpu.memory_space<vmem>>
      %dma_wait3A_58 = tpu.memref_squeeze %dma_wait3A_57 : memref<1x128x128xf32, #tpu.memory_space<vmem>> -> memref<128x128xf32, #tpu.memory_space<vmem>>
      %dma_wait3A_59 = arith.constant 0 : i32
      %dma_wait3A_60 = tpu.memref_slice %arg2[%mul3A_2, %dma_wait3A_59] : memref<327680x128xf32, #tpu.memory_space<hbm>> -> memref<128x128xf32, #tpu.memory_space<hbm>>
      %dma_wait3A_61 = arith.constant 0 : i32
      %dma_wait3A_62 = arith.constant 0 : i32
      %dma_wait3A_63 = tpu.memref_slice %arg7[%dma_wait3A, %dma_wait3A_61, %dma_wait3A_62] : memref<2x128x128xf32, #tpu.memory_space<vmem>> -> memref<1x128x128xf32, #tpu.memory_space<vmem>>
      %dma_wait3A_64 = tpu.memref_squeeze %dma_wait3A_63 : memref<1x128x128xf32, #tpu.memory_space<vmem>> -> memref<128x128xf32, #tpu.memory_space<vmem>>
      %dma_wait3A_65 = arith.constant 0 : i32
      %dma_wait3A_66 = tpu.memref_slice %arg2[%mul3A_2, %dma_wait3A_65] : memref<327680x128xf32, #tpu.memory_space<hbm>> -> memref<128x128xf32, #tpu.memory_space<hbm>>
      tpu.wait_dma2 semaphore(%arg9 : memref<!tpu.dma_semaphore, #tpu.memory_space<semaphore_mem>>) src(%dma_wait3A_66 : memref<128x128xf32, #tpu.memory_space<hbm>>) dst(%dma_wait3A_64 : memref<128x128xf32, #tpu.memory_space<vmem>>)
      %run_scoped3A = arith.constant 0 : i32
      "tpu.region"() ({
        %run_scoped3A_87 = tpu.sem_alloc : memref<!tpu.dma_semaphore, #tpu.memory_space<semaphore_mem>>
        %dma_start3A_88 = arith.constant 0 : i32
        %dma_start3A_89 = arith.constant 0 : i32
        %dma_start3A_90 = tpu.memref_slice %arg7[%run_scoped3A, %dma_start3A_88, %dma_start3A_89] : memref<2x128x128xf32, #tpu.memory_space<vmem>> -> memref<1x128x128xf32, #tpu.memory_space<vmem>>
        %dma_start3A_91 = tpu.memref_squeeze %dma_start3A_90 : memref<1x128x128xf32, #tpu.memory_space<vmem>> -> memref<128x128xf32, #tpu.memory_space<vmem>>
        %dma_start3A_92 = arith.constant 0 : i32
        %dma_start3A_93 = tpu.memref_slice %arg6[%mul3A_36, %dma_start3A_92] : memref<80x128xi32, #tpu.memory_space<vmem>> -> memref<1x128xi32, #tpu.memory_space<vmem>>
        %dma_start3A_94 = tpu.memref_squeeze %dma_start3A_93 : memref<1x128xi32, #tpu.memory_space<vmem>> -> memref<128xi32, #tpu.memory_space<vmem>>
        %dma_start3A_95 = arith.constant 0 : i32
        %dma_start3A_96 = arith.constant 0 : i32
        %dma_start3A_97 = tpu.memref_slice %arg8[%dma_start3A_95, %dma_start3A_96] : memref<10240x128xf32, #tpu.memory_space<vmem_shared>> -> memref<10240x128xf32, #tpu.memory_space<vmem_shared>>
        tpu.enqueue_indirect_dma source(%dma_start3A_91 : memref<128x128xf32, #tpu.memory_space<vmem>>) target(%dma_start3A_97 : memref<10240x128xf32, #tpu.memory_space<vmem_shared>>) offsets(%dma_start3A_94 : memref<128xi32, #tpu.memory_space<vmem>>) semaphore(%run_scoped3A_87 : memref<!tpu.dma_semaphore, #tpu.memory_space<semaphore_mem>>) {add = true}
        %dma_wait3A_98 = arith.constant 0 : i32
        %dma_wait3A_99 = arith.constant 0 : i32
        %dma_wait3A_100 = tpu.memref_slice %arg7[%run_scoped3A, %dma_wait3A_98, %dma_wait3A_99] : memref<2x128x128xf32, #tpu.memory_space<vmem>> -> memref<1x128x128xf32, #tpu.memory_space<vmem>>
        %dma_wait3A_101 = tpu.memref_squeeze %dma_wait3A_100 : memref<1x128x128xf32, #tpu.memory_space<vmem>> -> memref<128x128xf32, #tpu.memory_space<vmem>>
        %dma_wait3A_102 = arith.constant 0 : i32
        %dma_wait3A_103 = tpu.memref_slice %arg6[%mul3A_36, %dma_wait3A_102] : memref<80x128xi32, #tpu.memory_space<vmem>> -> memref<1x128xi32, #tpu.memory_space<vmem>>
        %dma_wait3A_104 = tpu.memref_squeeze %dma_wait3A_103 : memref<1x128xi32, #tpu.memory_space<vmem>> -> memref<128xi32, #tpu.memory_space<vmem>>
        %dma_wait3A_105 = arith.constant 0 : i32
        %dma_wait3A_106 = arith.constant 0 : i32
        %dma_wait3A_107 = tpu.memref_slice %arg8[%dma_wait3A_105, %dma_wait3A_106] : memref<10240x128xf32, #tpu.memory_space<vmem_shared>> -> memref<10240x128xf32, #tpu.memory_space<vmem_shared>>
        tpu.wait_indirect_dma semaphore(%run_scoped3A_87 : memref<!tpu.dma_semaphore, #tpu.memory_space<semaphore_mem>>) src(%dma_wait3A_101 : memref<128x128xf32, #tpu.memory_space<vmem>>) dst(%dma_wait3A_107 : memref<10240x128xf32, #tpu.memory_space<vmem_shared>>)
        tpu.yield
      }) : () -> ()
      %add3A_67 = arith.constant 2 : i32
      %add3A_68 = arith.addi %mul3A_36, %add3A_67 : i32
      %lt3A = arith.constant 80 : i32
      %lt3A_69 = arith.cmpi slt, %add3A_68, %lt3A : i32
      %convert_element_type3A = arith.extui %lt3A_69 : i1 to i32
      %cond3A = arith.constant 0 : i32
      %cond3A_70 = arith.cmpi ne, %convert_element_type3A, %cond3A : i32
      scf.if %cond3A_70 {
        %add3A_87 = arith.constant 2 : i32
        %add3A_88 = arith.addi %mul3A_36, %add3A_87 : i32
        %mul3A_89 = arith.constant 128 : i32
        %mul3A_90 = arith.muli %add3A_88, %mul3A_89 : i32
        %add3A_91 = arith.addi %mul3A_2, %mul3A_90 : i32
        %dma_start3A_92 = arith.constant 0 : i32
        %dma_start3A_93 = arith.constant 0 : i32
        %dma_start3A_94 = arith.constant 0 : i32
        %dma_start3A_95 = tpu.memref_slice %arg7[%dma_start3A_92, %dma_start3A_93, %dma_start3A_94] : memref<2x128x128xf32, #tpu.memory_space<vmem>> -> memref<1x128x128xf32, #tpu.memory_space<vmem>>
        %dma_start3A_96 = tpu.memref_squeeze %dma_start3A_95 : memref<1x128x128xf32, #tpu.memory_space<vmem>> -> memref<128x128xf32, #tpu.memory_space<vmem>>
        %dma_start3A_97 = arith.constant 0 : i32
        %dma_start3A_98 = tpu.memref_slice %arg2[%add3A_91, %dma_start3A_97] : memref<327680x128xf32, #tpu.memory_space<hbm>> -> memref<128x128xf32, #tpu.memory_space<hbm>>
        %dma_start3A_99 = arith.constant 0 : i32
        %dma_start3A_100 = arith.constant 0 : i32
        %dma_start3A_101 = tpu.memref_slice %arg7[%dma_start3A_92, %dma_start3A_99, %dma_start3A_100] : memref<2x128x128xf32, #tpu.memory_space<vmem>> -> memref<1x128x128xf32, #tpu.memory_space<vmem>>
        %dma_start3A_102 = tpu.memref_squeeze %dma_start3A_101 : memref<1x128x128xf32, #tpu.memory_space<vmem>> -> memref<128x128xf32, #tpu.memory_space<vmem>>
        %dma_start3A_103 = arith.constant 0 : i32
        %dma_start3A_104 = tpu.memref_slice %arg2[%add3A_91, %dma_start3A_103] : memref<327680x128xf32, #tpu.memory_space<hbm>> -> memref<128x128xf32, #tpu.memory_space<hbm>>
        tpu.enqueue_dma source(%dma_start3A_104 : memref<128x128xf32, #tpu.memory_space<hbm>>) target(%dma_start3A_102 : memref<128x128xf32, #tpu.memory_space<vmem>>) target_semaphore(%arg9 : memref<!tpu.dma_semaphore, #tpu.memory_space<semaphore_mem>>)
      } else {
      }
      %add3A_71 = arith.constant 1 : i32
      %add3A_72 = arith.addi %mul3A_36, %add3A_71 : i32
      %dma_wait3A_73 = arith.constant 1 : i32
      %dma_wait3A_74 = arith.constant 0 : i32
      %dma_wait3A_75 = arith.constant 0 : i32
      %dma_wait3A_76 = tpu.memref_slice %arg7[%dma_wait3A_73, %dma_wait3A_74, %dma_wait3A_75] : memref<2x128x128xf32, #tpu.memory_space<vmem>> -> memref<1x128x128xf32, #tpu.memory_space<vmem>>
      %dma_wait3A_77 = tpu.memref_squeeze %dma_wait3A_76 : memref<1x128x128xf32, #tpu.memory_space<vmem>> -> memref<128x128xf32, #tpu.memory_space<vmem>>
      %dma_wait3A_78 = arith.constant 0 : i32
      %dma_wait3A_79 = tpu.memref_slice %arg2[%mul3A_2, %dma_wait3A_78] : memref<327680x128xf32, #tpu.memory_space<hbm>> -> memref<128x128xf32, #tpu.memory_space<hbm>>
      %dma_wait3A_80 = arith.constant 0 : i32
      %dma_wait3A_81 = arith.constant 0 : i32
      %dma_wait3A_82 = tpu.memref_slice %arg7[%dma_wait3A_73, %dma_wait3A_80, %dma_wait3A_81] : memref<2x128x128xf32, #tpu.memory_space<vmem>> -> memref<1x128x128xf32, #tpu.memory_space<vmem>>
      %dma_wait3A_83 = tpu.memref_squeeze %dma_wait3A_82 : memref<1x128x128xf32, #tpu.memory_space<vmem>> -> memref<128x128xf32, #tpu.memory_space<vmem>>
      %dma_wait3A_84 = arith.constant 0 : i32
      %dma_wait3A_85 = tpu.memref_slice %arg2[%mul3A_2, %dma_wait3A_84] : memref<327680x128xf32, #tpu.memory_space<hbm>> -> memref<128x128xf32, #tpu.memory_space<hbm>>
      tpu.wait_dma2 semaphore(%arg10 : memref<!tpu.dma_semaphore, #tpu.memory_space<semaphore_mem>>) src(%dma_wait3A_85 : memref<128x128xf32, #tpu.memory_space<hbm>>) dst(%dma_wait3A_83 : memref<128x128xf32, #tpu.memory_space<vmem>>)
      %run_scoped3A_86 = arith.constant 1 : i32
      "tpu.region"() ({
        %run_scoped3A_87 = tpu.sem_alloc : memref<!tpu.dma_semaphore, #tpu.memory_space<semaphore_mem>>
        %dma_start3A_88 = arith.constant 0 : i32
        %dma_start3A_89 = arith.constant 0 : i32
        %dma_start3A_90 = tpu.memref_slice %arg7[%run_scoped3A_86, %dma_start3A_88, %dma_start3A_89] : memref<2x128x128xf32, #tpu.memory_space<vmem>> -> memref<1x128x128xf32, #tpu.memory_space<vmem>>
        %dma_start3A_91 = tpu.memref_squeeze %dma_start3A_90 : memref<1x128x128xf32, #tpu.memory_space<vmem>> -> memref<128x128xf32, #tpu.memory_space<vmem>>
        %dma_start3A_92 = arith.constant 0 : i32
        %dma_start3A_93 = tpu.memref_slice %arg6[%add3A_72, %dma_start3A_92] : memref<80x128xi32, #tpu.memory_space<vmem>> -> memref<1x128xi32, #tpu.memory_space<vmem>>
        %dma_start3A_94 = tpu.memref_squeeze %dma_start3A_93 : memref<1x128xi32, #tpu.memory_space<vmem>> -> memref<128xi32, #tpu.memory_space<vmem>>
        %dma_start3A_95 = arith.constant 0 : i32
        %dma_start3A_96 = arith.constant 0 : i32
        %dma_start3A_97 = tpu.memref_slice %arg8[%dma_start3A_95, %dma_start3A_96] : memref<10240x128xf32, #tpu.memory_space<vmem_shared>> -> memref<10240x128xf32, #tpu.memory_space<vmem_shared>>
        tpu.enqueue_indirect_dma source(%dma_start3A_91 : memref<128x128xf32, #tpu.memory_space<vmem>>) target(%dma_start3A_97 : memref<10240x128xf32, #tpu.memory_space<vmem_shared>>) offsets(%dma_start3A_94 : memref<128xi32, #tpu.memory_space<vmem>>) semaphore(%run_scoped3A_87 : memref<!tpu.dma_semaphore, #tpu.memory_space<semaphore_mem>>) {add = true}
        %dma_wait3A_98 = arith.constant 0 : i32
        %dma_wait3A_99 = arith.constant 0 : i32
        %dma_wait3A_100 = tpu.memref_slice %arg7[%run_scoped3A_86, %dma_wait3A_98, %dma_wait3A_99] : memref<2x128x128xf32, #tpu.memory_space<vmem>> -> memref<1x128x128xf32, #tpu.memory_space<vmem>>
        %dma_wait3A_101 = tpu.memref_squeeze %dma_wait3A_100 : memref<1x128x128xf32, #tpu.memory_space<vmem>> -> memref<128x128xf32, #tpu.memory_space<vmem>>
        %dma_wait3A_102 = arith.constant 0 : i32
        %dma_wait3A_103 = tpu.memref_slice %arg6[%add3A_72, %dma_wait3A_102] : memref<80x128xi32, #tpu.memory_space<vmem>> -> memref<1x128xi32, #tpu.memory_space<vmem>>
        %dma_wait3A_104 = tpu.memref_squeeze %dma_wait3A_103 : memref<1x128xi32, #tpu.memory_space<vmem>> -> memref<128xi32, #tpu.memory_space<vmem>>
        %dma_wait3A_105 = arith.constant 0 : i32
        %dma_wait3A_106 = arith.constant 0 : i32
        %dma_wait3A_107 = tpu.memref_slice %arg8[%dma_wait3A_105, %dma_wait3A_106] : memref<10240x128xf32, #tpu.memory_space<vmem_shared>> -> memref<10240x128xf32, #tpu.memory_space<vmem_shared>>
        tpu.wait_indirect_dma semaphore(%run_scoped3A_87 : memref<!tpu.dma_semaphore, #tpu.memory_space<semaphore_mem>>) src(%dma_wait3A_101 : memref<128x128xf32, #tpu.memory_space<vmem>>) dst(%dma_wait3A_107 : memref<10240x128xf32, #tpu.memory_space<vmem_shared>>)
        tpu.yield
      }) : () -> ()
    }
    %scan3A_24 = arith.constant 40 : i32
    %barrier3A_25 = arith.constant 0 : index
    tpu.barrier barrier_id(%barrier3A_25)
    %mul3A_26 = arith.constant 640 : i32
    %mul3A_27 = arith.muli %arg1, %mul3A_26 : i32
    %mul3A_28 = arith.constant 640 : i32
    %mul3A_29 = arith.muli %arg1, %mul3A_28 : i32
    "tpu.region"() ({
      %run_scoped3A = tpu.sem_alloc : memref<!tpu.dma_semaphore, #tpu.memory_space<semaphore_mem>>
      %dma_start3A_30 = arith.constant 0 : i32
      %dma_start3A_31 = arith.constant 0 : i32
      %dma_start3A_32 = tpu.memref_slice %arg5[%arg0, %dma_start3A_30, %dma_start3A_31] : memref<2x10240x128xf32, #tpu.memory_space<hbm>> -> memref<1x10240x128xf32, #tpu.memory_space<hbm>>
      %dma_start3A_33 = tpu.memref_squeeze %dma_start3A_32 : memref<1x10240x128xf32, #tpu.memory_space<hbm>> -> memref<10240x128xf32, #tpu.memory_space<hbm>>
      %dma_start3A_34 = arith.constant 0 : i32
      %dma_start3A_35 = tpu.memref_slice %dma_start3A_33[%mul3A_29, %dma_start3A_34] : memref<10240x128xf32, #tpu.memory_space<hbm>> -> memref<640x128xf32, #tpu.memory_space<hbm>>
      %dma_start3A_36 = arith.constant 0 : i32
      %dma_start3A_37 = tpu.memref_slice %arg8[%mul3A_27, %dma_start3A_36] : memref<10240x128xf32, #tpu.memory_space<vmem_shared>> -> memref<640x128xf32, #tpu.memory_space<vmem_shared>>
      tpu.enqueue_dma source(%dma_start3A_37 : memref<640x128xf32, #tpu.memory_space<vmem_shared>>) target(%dma_start3A_35 : memref<640x128xf32, #tpu.memory_space<hbm>>) target_semaphore(%run_scoped3A : memref<!tpu.dma_semaphore, #tpu.memory_space<semaphore_mem>>)
      %dma_wait3A = arith.constant 0 : i32
      %dma_wait3A_38 = arith.constant 0 : i32
      %dma_wait3A_39 = tpu.memref_slice %arg5[%arg0, %dma_wait3A, %dma_wait3A_38] : memref<2x10240x128xf32, #tpu.memory_space<hbm>> -> memref<1x10240x128xf32, #tpu.memory_space<hbm>>
      %dma_wait3A_40 = tpu.memref_squeeze %dma_wait3A_39 : memref<1x10240x128xf32, #tpu.memory_space<hbm>> -> memref<10240x128xf32, #tpu.memory_space<hbm>>
      %dma_wait3A_41 = arith.constant 0 : i32
      %dma_wait3A_42 = tpu.memref_slice %dma_wait3A_40[%mul3A_29, %dma_wait3A_41] : memref<10240x128xf32, #tpu.memory_space<hbm>> -> memref<640x128xf32, #tpu.memory_space<hbm>>
      %dma_wait3A_43 = arith.constant 0 : i32
      %dma_wait3A_44 = tpu.memref_slice %arg8[%mul3A_27, %dma_wait3A_43] : memref<10240x128xf32, #tpu.memory_space<vmem_shared>> -> memref<640x128xf32, #tpu.memory_space<vmem_shared>>
      tpu.wait_dma2 semaphore(%run_scoped3A : memref<!tpu.dma_semaphore, #tpu.memory_space<semaphore_mem>>) src(%dma_wait3A_44 : memref<640x128xf32, #tpu.memory_space<vmem_shared>>) dst(%dma_wait3A_42 : memref<640x128xf32, #tpu.memory_space<hbm>>)
      tpu.yield
    }) : () -> ()
    return
  }
}

module attributes {stable_mosaic.version = 14 : i64} {
  func.func @_stats_body(%arg0: i32, %arg1: memref<2048x16xf32, #tpu.memory_space<vmem>>, %arg2: memref<16x128xf32, #tpu.memory_space<vmem>>, %arg3: memref<1x128xf32, #tpu.memory_space<vmem>>, %arg4: memref<1x128xf32, #tpu.memory_space<vmem>>, %arg5: memref<1x128xf32, #tpu.memory_space<vmem>>, %arg6: memref<1x128xf32, #tpu.memory_space<vmem>>, %arg7: memref<1x128xf32, #tpu.memory_space<vmem>>) attributes {dimension_semantics = [#tpu.dimension_semantics<arbitrary>], iteration_bounds = array<i64: 160>, scalar_prefetch = 0 : i64, scratch_operands = 2 : i64, tpu.core_type = #tpu.core_type<tc>, window_params = [{transform_indices = @transform_0, window_bounds = array<i64: 2048, 16>}, {pipeline_mode = #tpu.pipeline_mode<synchronous>, transform_indices = @transform_1, window_bounds = array<i64: 16, 128>}, {pipeline_mode = #tpu.pipeline_mode<synchronous>, transform_indices = @transform_2, window_bounds = array<i64: 1, 128>}, {pipeline_mode = #tpu.pipeline_mode<synchronous>, transform_indices = @transform_3, window_bounds = array<i64: 1, 128>}, {pipeline_mode = #tpu.pipeline_mode<synchronous>, transform_indices = @transform_4, window_bounds = array<i64: 1, 128>}]} {
    %eq3A = arith.constant 0 : i32
    %eq3A_0 = arith.cmpi eq, %arg0, %eq3A : i32
    %convert_element_type3A = arith.extui %eq3A_0 : i1 to i32
    %cond3A = arith.constant 0 : i32
    %cond3A_1 = arith.cmpi ne, %convert_element_type3A, %cond3A : i32
    scf.if %cond3A_1 {
      %broadcast_in_dim3A_43 = arith.constant 0.000000e+00 : f32
      %broadcast_in_dim3A_44 = vector.broadcast %broadcast_in_dim3A_43 : f32 to vector<1x128xf32>
      %swap3A_45 = arith.constant 0 : index
      %swap3A_46 = arith.constant 0 : index
      %swap3A_47 = vector.load %arg6[%swap3A_45, %swap3A_46] : memref<1x128xf32, #tpu.memory_space<vmem>>, vector<1x128xf32>
      tpu.vector_store %arg6[%swap3A_45, %swap3A_46], %broadcast_in_dim3A_44 {strides = array<i32>} : memref<1x128xf32, #tpu.memory_space<vmem>>, vector<1x128xf32>,
      %broadcast_in_dim3A_48 = arith.constant 0.000000e+00 : f32
      %broadcast_in_dim3A_49 = vector.broadcast %broadcast_in_dim3A_48 : f32 to vector<1x128xf32>
      %swap3A_50 = arith.constant 0 : index
      %swap3A_51 = arith.constant 0 : index
      %swap3A_52 = vector.load %arg7[%swap3A_50, %swap3A_51] : memref<1x128xf32, #tpu.memory_space<vmem>>, vector<1x128xf32>
      tpu.vector_store %arg7[%swap3A_50, %swap3A_51], %broadcast_in_dim3A_49 {strides = array<i32>} : memref<1x128xf32, #tpu.memory_space<vmem>>, vector<1x128xf32>,
    } else {
    }
    %get3A = arith.constant 0 : index
    %get3A_2 = arith.constant 0 : index
    %get3A_3 = vector.load %arg1[%get3A, %get3A_2] : memref<2048x16xf32, #tpu.memory_space<vmem>>, vector<2048x16xf32>
    %get3A_4 = arith.constant 0 : index
    %get3A_5 = arith.constant 0 : index
    %get3A_6 = vector.load %arg2[%get3A_4, %get3A_5] : memref<16x128xf32, #tpu.memory_space<vmem>>, vector<16x128xf32>
    %dot_general3A = arith.constant dense<0.000000e+00> : vector<2048x128xf32>
    %dot_general3A_7 = tpu.matmul %get3A_3, %get3A_6, %dot_general3A {dimension_numbers = #tpu.dot_dimension_numbers<[1], [0], [0], [1], [0, 0, 1, 1], [], []>, transpose_lhs_hint = false} : vector<2048x16xf32>, vector<16x128xf32>, vector<2048x128xf32> -> vector<2048x128xf32>
    %get3A_8 = arith.constant 0 : index
    %get3A_9 = arith.constant 0 : index
    %get3A_10 = vector.load %arg3[%get3A_8, %get3A_9] : memref<1x128xf32, #tpu.memory_space<vmem>>, vector<1x128xf32>
    %add3A = vector.broadcast %get3A_10 : vector<1x128xf32> to vector<2048x128xf32>
    %add3A_11 = arith.addf %dot_general3A_7, %add3A : vector<2048x128xf32>
    %mul3A = arith.constant 2048 : i32
    %mul3A_12 = arith.muli %arg0, %mul3A : i32
    %iota3A = tpu.iota {dimensions = array<i32: 0>} : vector<2048x1xi32>
    %add3A_13 = vector.broadcast %mul3A_12 : i32 to vector<2048x1xi32>
    %add3A_14 = arith.addi %add3A_13, %iota3A : vector<2048x1xi32>
    %lt3A = arith.constant 320000 : i32
    %lt3A_15 = vector.broadcast %lt3A : i32 to vector<2048x1xi32>
    %lt3A_16 = arith.cmpi slt, %add3A_14, %lt3A_15 : vector<2048x1xi32>
    %jit3A = arith.constant 0.000000e+00 : f32
    %broadcast_in_dim3A = vector.shape_cast %lt3A_16 : vector<2048x1xi1> to vector<2048x1xi1>
    %broadcast_in_dim3A_17 = vector.broadcast %broadcast_in_dim3A : vector<2048x1xi1> to vector<2048x128xi1>
    %broadcast_in_dim3A_18 = vector.broadcast %jit3A : f32 to vector<2048x128xf32>
    %select_n3A = arith.select %broadcast_in_dim3A_17, %add3A_11, %broadcast_in_dim3A_18 : vector<2048x128xi1>, vector<2048x128xf32>
    %get3A_19 = arith.constant 0 : index
    %get3A_20 = arith.constant 0 : index
    %get3A_21 = vector.load %arg6[%get3A_19, %get3A_20] : memref<1x128xf32, #tpu.memory_space<vmem>>, vector<1x128xf32>
    %reduce_sum3A = arith.constant dense<0.000000e+00> : vector<128xf32>
    %reduce_sum3A_22 = vector.multi_reduction <add>, %select_n3A, %reduce_sum3A [0] : vector<2048x128xf32> to vector<128xf32>
    %broadcast_in_dim3A_23 = vector.shape_cast %reduce_sum3A_22 : vector<128xf32> to vector<1x128xf32>
    %add3A_24 = arith.addf %get3A_21, %broadcast_in_dim3A_23 : vector<1x128xf32>
    %swap3A = arith.constant 0 : index
    %swap3A_25 = arith.constant 0 : index
    %swap3A_26 = vector.load %arg6[%swap3A, %swap3A_25] : memref<1x128xf32, #tpu.memory_space<vmem>>, vector<1x128xf32>
    tpu.vector_store %arg6[%swap3A, %swap3A_25], %add3A_24 {strides = array<i32>} : memref<1x128xf32, #tpu.memory_space<vmem>>, vector<1x128xf32>,
    %get3A_27 = arith.constant 0 : index
    %get3A_28 = arith.constant 0 : index
    %get3A_29 = vector.load %arg7[%get3A_27, %get3A_28] : memref<1x128xf32, #tpu.memory_space<vmem>>, vector<1x128xf32>
    %mul3A_30 = arith.mulf %select_n3A, %select_n3A : vector<2048x128xf32>
    %reduce_sum3A_31 = arith.constant dense<0.000000e+00> : vector<128xf32>
    %reduce_sum3A_32 = vector.multi_reduction <add>, %mul3A_30, %reduce_sum3A_31 [0] : vector<2048x128xf32> to vector<128xf32>
    %broadcast_in_dim3A_33 = vector.shape_cast %reduce_sum3A_32 : vector<128xf32> to vector<1x128xf32>
    %add3A_34 = arith.addf %get3A_29, %broadcast_in_dim3A_33 : vector<1x128xf32>
    %swap3A_35 = arith.constant 0 : index
    %swap3A_36 = arith.constant 0 : index
    %swap3A_37 = vector.load %arg7[%swap3A_35, %swap3A_36] : memref<1x128xf32, #tpu.memory_space<vmem>>, vector<1x128xf32>
    tpu.vector_store %arg7[%swap3A_35, %swap3A_36], %add3A_34 {strides = array<i32>} : memref<1x128xf32, #tpu.memory_space<vmem>>, vector<1x128xf32>,
    %eq3A_38 = arith.constant 159 : i32
    %eq3A_39 = arith.cmpi eq, %arg0, %eq3A_38 : i32
    %convert_element_type3A_40 = arith.extui %eq3A_39 : i1 to i32
    %cond3A_41 = arith.constant 0 : i32
    %cond3A_42 = arith.cmpi ne, %convert_element_type3A_40, %cond3A_41 : i32
    scf.if %cond3A_42 {
      %get3A_43 = arith.constant 0 : index
      %get3A_44 = arith.constant 0 : index
      %get3A_45 = vector.load %arg6[%get3A_43, %get3A_44] : memref<1x128xf32, #tpu.memory_space<vmem>>, vector<1x128xf32>
      %swap3A_46 = arith.constant 0 : index
      %swap3A_47 = arith.constant 0 : index
      %swap3A_48 = vector.load %arg4[%swap3A_46, %swap3A_47] : memref<1x128xf32, #tpu.memory_space<vmem>>, vector<1x128xf32>
      tpu.vector_store %arg4[%swap3A_46, %swap3A_47], %get3A_45 {strides = array<i32>} : memref<1x128xf32, #tpu.memory_space<vmem>>, vector<1x128xf32>,
      %get3A_49 = arith.constant 0 : index
      %get3A_50 = arith.constant 0 : index
      %get3A_51 = vector.load %arg7[%get3A_49, %get3A_50] : memref<1x128xf32, #tpu.memory_space<vmem>>, vector<1x128xf32>
      %swap3A_52 = arith.constant 0 : index
      %swap3A_53 = arith.constant 0 : index
      %swap3A_54 = vector.load %arg5[%swap3A_52, %swap3A_53] : memref<1x128xf32, #tpu.memory_space<vmem>>, vector<1x128xf32>
      tpu.vector_store %arg5[%swap3A_52, %swap3A_53], %get3A_51 {strides = array<i32>} : memref<1x128xf32, #tpu.memory_space<vmem>>, vector<1x128xf32>,
    } else {
    }
    return
  }
  func.func @transform_0(%arg0: i32) -> (i32, i32) {
    %c0_i32 = arith.constant 0 : i32
    %c0_i32_0 = arith.constant 0 : i32
    return %arg0, %c0_i32 : i32, i32
  }
  func.func @transform_1(%arg0: i32) -> (i32, i32) {
    %c0_i32 = arith.constant 0 : i32
    %c0_i32_0 = arith.constant 0 : i32
    %c0_i32_1 = arith.constant 0 : i32
    return %c0_i32, %c0_i32_0 : i32, i32
  }
  func.func @transform_2(%arg0: i32) -> (i32, i32) {
    %c0_i32 = arith.constant 0 : i32
    %c0_i32_0 = arith.constant 0 : i32
    %c0_i32_1 = arith.constant 0 : i32
    return %c0_i32, %c0_i32_0 : i32, i32
  }
  func.func @transform_3(%arg0: i32) -> (i32, i32) {
    %c0_i32 = arith.constant 0 : i32
    %c0_i32_0 = arith.constant 0 : i32
    %c0_i32_1 = arith.constant 0 : i32
    return %c0_i32, %c0_i32_0 : i32, i32
  }
  func.func @transform_4(%arg0: i32) -> (i32, i32) {
    %c0_i32 = arith.constant 0 : i32
    %c0_i32_0 = arith.constant 0 : i32
    %c0_i32_1 = arith.constant 0 : i32
    return %c0_i32, %c0_i32_0 : i32, i32
  }
}

module attributes {stable_mosaic.version = 14 : i64} {
  func.func @_edge_body(%arg0: i32, %arg1: memref<2048x16xf32, #tpu.memory_space<vmem>>, %arg2: memref<16x128xf32, #tpu.memory_space<vmem>>, %arg3: memref<1x128xf32, #tpu.memory_space<vmem>>, %arg4: memref<1x128xf32, #tpu.memory_space<vmem>>, %arg5: memref<1x128xf32, #tpu.memory_space<vmem>>, %arg6: memref<128x128xf32, #tpu.memory_space<vmem>>, %arg7: memref<1x128xf32, #tpu.memory_space<vmem>>, %arg8: memref<1x128xf32, #tpu.memory_space<vmem>>, %arg9: memref<1x128xf32, #tpu.memory_space<vmem>>, %arg10: memref<2048x128xf32, #tpu.memory_space<vmem>>, %arg11: memref<1x128xf32, #tpu.memory_space<vmem>>, %arg12: memref<1x128xf32, #tpu.memory_space<vmem>>) attributes {dimension_semantics = [#tpu.dimension_semantics<arbitrary>], iteration_bounds = array<i64: 160>, scalar_prefetch = 0 : i64, scratch_operands = 2 : i64, tpu.core_type = #tpu.core_type<tc>, window_params = [{transform_indices = @transform_0, window_bounds = array<i64: 2048, 16>}, {pipeline_mode = #tpu.pipeline_mode<synchronous>, transform_indices = @transform_1, window_bounds = array<i64: 16, 128>}, {pipeline_mode = #tpu.pipeline_mode<synchronous>, transform_indices = @transform_2, window_bounds = array<i64: 1, 128>}, {pipeline_mode = #tpu.pipeline_mode<synchronous>, transform_indices = @transform_3, window_bounds = array<i64: 1, 128>}, {pipeline_mode = #tpu.pipeline_mode<synchronous>, transform_indices = @transform_4, window_bounds = array<i64: 1, 128>}, {pipeline_mode = #tpu.pipeline_mode<synchronous>, transform_indices = @transform_5, window_bounds = array<i64: 128, 128>}, {pipeline_mode = #tpu.pipeline_mode<synchronous>, transform_indices = @transform_6, window_bounds = array<i64: 1, 128>}, {pipeline_mode = #tpu.pipeline_mode<synchronous>, transform_indices = @transform_7, window_bounds = array<i64: 1, 128>}, {pipeline_mode = #tpu.pipeline_mode<synchronous>, transform_indices = @transform_8, window_bounds = array<i64: 1, 128>}, {transform_indices = @transform_9, window_bounds = array<i64: 2048, 128>}]} {
    %eq3A = arith.constant 0 : i32
    %eq3A_0 = arith.cmpi eq, %arg0, %eq3A : i32
    %convert_element_type3A = arith.extui %eq3A_0 : i1 to i32
    %cond3A = arith.constant 0 : i32
    %cond3A_1 = arith.cmpi ne, %convert_element_type3A, %cond3A : i32
    scf.if %cond3A_1 {
      %get3A_51 = arith.constant 0 : index
      %get3A_52 = arith.constant 0 : index
      %get3A_53 = vector.load %arg8[%get3A_51, %get3A_52] : memref<1x128xf32, #tpu.memory_space<vmem>>, vector<1x128xf32>
      %div3A_54 = arith.constant 3.200000e+05 : f32
      %div3A_55 = vector.broadcast %div3A_54 : f32 to vector<1x128xf32>
      %div3A_56 = arith.divf %get3A_53, %div3A_55 : vector<1x128xf32>
      %get3A_57 = arith.constant 0 : index
      %get3A_58 = arith.constant 0 : index
      %get3A_59 = vector.load %arg9[%get3A_57, %get3A_58] : memref<1x128xf32, #tpu.memory_space<vmem>>, vector<1x128xf32>
      %div3A_60 = arith.constant 3.200000e+05 : f32
      %div3A_61 = vector.broadcast %div3A_60 : f32 to vector<1x128xf32>
      %div3A_62 = arith.divf %get3A_59, %div3A_61 : vector<1x128xf32>
      %mul3A_63 = arith.mulf %div3A_56, %div3A_56 : vector<1x128xf32>
      %sub3A_64 = arith.subf %div3A_62, %mul3A_63 : vector<1x128xf32>
      %swap3A_65 = arith.constant 0 : index
      %swap3A_66 = arith.constant 0 : index
      %swap3A_67 = vector.load %arg11[%swap3A_65, %swap3A_66] : memref<1x128xf32, #tpu.memory_space<vmem>>, vector<1x128xf32>
      tpu.vector_store %arg11[%swap3A_65, %swap3A_66], %div3A_56 {strides = array<i32>} : memref<1x128xf32, #tpu.memory_space<vmem>>, vector<1x128xf32>,
      %add3A_68 = arith.constant 9.99999974E-6 : f32
      %add3A_69 = vector.broadcast %add3A_68 : f32 to vector<1x128xf32>
      %add3A_70 = arith.addf %sub3A_64, %add3A_69 : vector<1x128xf32>
      %sqrt3A = math.sqrt %add3A_70 : vector<1x128xf32>
      %swap3A_71 = arith.constant 0 : index
      %swap3A_72 = arith.constant 0 : index
      %swap3A_73 = vector.load %arg12[%swap3A_71, %swap3A_72] : memref<1x128xf32, #tpu.memory_space<vmem>>, vector<1x128xf32>
      tpu.vector_store %arg12[%swap3A_71, %swap3A_72], %sqrt3A {strides = array<i32>} : memref<1x128xf32, #tpu.memory_space<vmem>>, vector<1x128xf32>,
    } else {
    }
    %get3A = arith.constant 0 : index
    %get3A_2 = arith.constant 0 : index
    %get3A_3 = vector.load %arg1[%get3A, %get3A_2] : memref<2048x16xf32, #tpu.memory_space<vmem>>, vector<2048x16xf32>
    %get3A_4 = arith.constant 0 : index
    %get3A_5 = arith.constant 0 : index
    %get3A_6 = vector.load %arg2[%get3A_4, %get3A_5] : memref<16x128xf32, #tpu.memory_space<vmem>>, vector<16x128xf32>
    %dot_general3A = arith.constant dense<0.000000e+00> : vector<2048x128xf32>
    %dot_general3A_7 = tpu.matmul %get3A_3, %get3A_6, %dot_general3A {dimension_numbers = #tpu.dot_dimension_numbers<[1], [0], [0], [1], [0, 0, 1, 1], [], []>, transpose_lhs_hint = false} : vector<2048x16xf32>, vector<16x128xf32>, vector<2048x128xf32> -> vector<2048x128xf32>
    %get3A_8 = arith.constant 0 : index
    %get3A_9 = arith.constant 0 : index
    %get3A_10 = vector.load %arg3[%get3A_8, %get3A_9] : memref<1x128xf32, #tpu.memory_space<vmem>>, vector<1x128xf32>
    %add3A = vector.broadcast %get3A_10 : vector<1x128xf32> to vector<2048x128xf32>
    %add3A_11 = arith.addf %dot_general3A_7, %add3A : vector<2048x128xf32>
    %get3A_12 = arith.constant 0 : index
    %get3A_13 = arith.constant 0 : index
    %get3A_14 = vector.load %arg11[%get3A_12, %get3A_13] : memref<1x128xf32, #tpu.memory_space<vmem>>, vector<1x128xf32>
    %sub3A = vector.broadcast %get3A_14 : vector<1x128xf32> to vector<2048x128xf32>
    %sub3A_15 = arith.subf %add3A_11, %sub3A : vector<2048x128xf32>
    %get3A_16 = arith.constant 0 : index
    %get3A_17 = arith.constant 0 : index
    %get3A_18 = vector.load %arg12[%get3A_16, %get3A_17] : memref<1x128xf32, #tpu.memory_space<vmem>>, vector<1x128xf32>
    %div3A = vector.broadcast %get3A_18 : vector<1x128xf32> to vector<2048x128xf32>
    %div3A_19 = arith.divf %sub3A_15, %div3A : vector<2048x128xf32>
    %get3A_20 = arith.constant 0 : index
    %get3A_21 = arith.constant 0 : index
    %get3A_22 = vector.load %arg4[%get3A_20, %get3A_21] : memref<1x128xf32, #tpu.memory_space<vmem>>, vector<1x128xf32>
    %mul3A = vector.broadcast %get3A_22 : vector<1x128xf32> to vector<2048x128xf32>
    %mul3A_23 = arith.mulf %div3A_19, %mul3A : vector<2048x128xf32>
    %get3A_24 = arith.constant 0 : index
    %get3A_25 = arith.constant 0 : index
    %get3A_26 = vector.load %arg5[%get3A_24, %get3A_25] : memref<1x128xf32, #tpu.memory_space<vmem>>, vector<1x128xf32>
    %add3A_27 = vector.broadcast %get3A_26 : vector<1x128xf32> to vector<2048x128xf32>
    %add3A_28 = arith.addf %mul3A_23, %add3A_27 : vector<2048x128xf32>
    %max3A = arith.constant 0.000000e+00 : f32
    %max3A_29 = vector.broadcast %max3A : f32 to vector<2048x128xf32>
    %max3A_30 = arith.maximumf %add3A_28, %max3A_29 : vector<2048x128xf32>
    %get3A_31 = arith.constant 0 : index
    %get3A_32 = arith.constant 0 : index
    %get3A_33 = vector.load %arg6[%get3A_31, %get3A_32] : memref<128x128xf32, #tpu.memory_space<vmem>>, vector<128x128xf32>
    %dot_general3A_34 = arith.constant dense<0.000000e+00> : vector<2048x128xf32>
    %dot_general3A_35 = tpu.matmul %max3A_30, %get3A_33, %dot_general3A_34 {dimension_numbers = #tpu.dot_dimension_numbers<[1], [0], [0], [1], [0, 0, 1, 1], [], []>, transpose_lhs_hint = false} : vector<2048x128xf32>, vector<128x128xf32>, vector<2048x128xf32> -> vector<2048x128xf32>
    %get3A_36 = arith.constant 0 : index
    %get3A_37 = arith.constant 0 : index
    %get3A_38 = vector.load %arg7[%get3A_36, %get3A_37] : memref<1x128xf32, #tpu.memory_space<vmem>>, vector<1x128xf32>
    %add3A_39 = vector.broadcast %get3A_38 : vector<1x128xf32> to vector<2048x128xf32>
    %add3A_40 = arith.addf %dot_general3A_35, %add3A_39 : vector<2048x128xf32>
    %mul3A_41 = arith.constant 2048 : i32
    %mul3A_42 = arith.muli %arg0, %mul3A_41 : i32
    %iota3A = tpu.iota {dimensions = array<i32: 0>} : vector<2048x1xi32>
    %add3A_43 = vector.broadcast %mul3A_42 : i32 to vector<2048x1xi32>
    %add3A_44 = arith.addi %add3A_43, %iota3A : vector<2048x1xi32>
    %lt3A = arith.constant 320000 : i32
    %lt3A_45 = vector.broadcast %lt3A : i32 to vector<2048x1xi32>
    %lt3A_46 = arith.cmpi slt, %add3A_44, %lt3A_45 : vector<2048x1xi32>
    %jit3A = arith.constant 0.000000e+00 : f32
    %broadcast_in_dim3A = vector.shape_cast %lt3A_46 : vector<2048x1xi1> to vector<2048x1xi1>
    %broadcast_in_dim3A_47 = vector.broadcast %broadcast_in_dim3A : vector<2048x1xi1> to vector<2048x128xi1>
    %broadcast_in_dim3A_48 = vector.broadcast %jit3A : f32 to vector<2048x128xf32>
    %select_n3A = arith.select %broadcast_in_dim3A_47, %add3A_40, %broadcast_in_dim3A_48 : vector<2048x128xi1>, vector<2048x128xf32>
    %swap3A = arith.constant 0 : index
    %swap3A_49 = arith.constant 0 : index
    %swap3A_50 = vector.load %arg10[%swap3A, %swap3A_49] : memref<2048x128xf32, #tpu.memory_space<vmem>>, vector<2048x128xf32>
    tpu.vector_store %arg10[%swap3A, %swap3A_49], %select_n3A {strides = array<i32>} : memref<2048x128xf32, #tpu.memory_space<vmem>>, vector<2048x128xf32>,
    return
  }
  func.func @transform_0(%arg0: i32) -> (i32, i32) {
    %c0_i32 = arith.constant 0 : i32
    %c0_i32_0 = arith.constant 0 : i32
    return %arg0, %c0_i32 : i32, i32
  }
  func.func @transform_1(%arg0: i32) -> (i32, i32) {
    %c0_i32 = arith.constant 0 : i32
    %c0_i32_0 = arith.constant 0 : i32
    %c0_i32_1 = arith.constant 0 : i32
    return %c0_i32, %c0_i32_0 : i32, i32
  }
  func.func @transform_2(%arg0: i32) -> (i32, i32) {
    %c0_i32 = arith.constant 0 : i32
    %c0_i32_0 = arith.constant 0 : i32
    %c0_i32_1 = arith.constant 0 : i32
    return %c0_i32, %c0_i32_0 : i32, i32
  }
  func.func @transform_3(%arg0: i32) -> (i32, i32) {
    %c0_i32 = arith.constant 0 : i32
    %c0_i32_0 = arith.constant 0 : i32
    %c0_i32_1 = arith.constant 0 : i32
    return %c0_i32, %c0_i32_0 : i32, i32
  }
  func.func @transform_4(%arg0: i32) -> (i32, i32) {
    %c0_i32 = arith.constant 0 : i32
    %c0_i32_0 = arith.constant 0 : i32
    %c0_i32_1 = arith.constant 0 : i32
    return %c0_i32, %c0_i32_0 : i32, i32
  }
  func.func @transform_5(%arg0: i32) -> (i32, i32) {
    %c0_i32 = arith.constant 0 : i32
    %c0_i32_0 = arith.constant 0 : i32
    %c0_i32_1 = arith.constant 0 : i32
    return %c0_i32, %c0_i32_0 : i32, i32
  }
  func.func @transform_6(%arg0: i32) -> (i32, i32) {
    %c0_i32 = arith.constant 0 : i32
    %c0_i32_0 = arith.constant 0 : i32
    %c0_i32_1 = arith.constant 0 : i32
    return %c0_i32, %c0_i32_0 : i32, i32
  }
  func.func @transform_7(%arg0: i32) -> (i32, i32) {
    %c0_i32 = arith.constant 0 : i32
    %c0_i32_0 = arith.constant 0 : i32
    %c0_i32_1 = arith.constant 0 : i32
    return %c0_i32, %c0_i32_0 : i32, i32
  }
  func.func @transform_8(%arg0: i32) -> (i32, i32) {
    %c0_i32 = arith.constant 0 : i32
    %c0_i32_0 = arith.constant 0 : i32
    %c0_i32_1 = arith.constant 0 : i32
    return %c0_i32, %c0_i32_0 : i32, i32
  }
  func.func @transform_9(%arg0: i32) -> (i32, i32) {
    %c0_i32 = arith.constant 0 : i32
    %c0_i32_0 = arith.constant 0 : i32
    return %arg0, %c0_i32 : i32, i32
  }
}

module attributes {stable_mosaic.version = 14 : i64} {
  func.func @_combine_body(%arg0: memref<2x10240x128xf32, #tpu.memory_space<vmem>>, %arg1: memref<10240x128xf32, #tpu.memory_space<vmem>>, %arg2: memref<10240x128xf32, #tpu.memory_space<vmem>>) attributes {dimension_semantics = [], scalar_prefetch = 0 : i64, scratch_operands = 0 : i64, tpu.core_type = #tpu.core_type<tc>} {
    %get3A = arith.constant 0 : index
    %get3A_0 = arith.constant 0 : index
    %get3A_1 = vector.load %arg1[%get3A, %get3A_0] : memref<10240x128xf32, #tpu.memory_space<vmem>>, vector<10240x128xf32>
    %get3A_2 = arith.constant 0 : index
    %get3A_3 = arith.constant 0 : index
    %get3A_4 = arith.constant 0 : index
    %get3A_5 = vector.load %arg0[%get3A_2, %get3A_3, %get3A_4] : memref<2x10240x128xf32, #tpu.memory_space<vmem>>, vector<1x10240x128xf32>
    %get3A_6 = vector.shape_cast %get3A_5 : vector<1x10240x128xf32> to vector<10240x128xf32>
    %add3A = arith.addf %get3A_1, %get3A_6 : vector<10240x128xf32>
    %get3A_7 = arith.constant 1 : index
    %get3A_8 = arith.constant 0 : index
    %get3A_9 = arith.constant 0 : index
    %get3A_10 = vector.load %arg0[%get3A_7, %get3A_8, %get3A_9] : memref<2x10240x128xf32, #tpu.memory_space<vmem>>, vector<1x10240x128xf32>
    %get3A_11 = vector.shape_cast %get3A_10 : vector<1x10240x128xf32> to vector<10240x128xf32>
    %add3A_12 = arith.addf %add3A, %get3A_11 : vector<10240x128xf32>
    %swap3A = arith.constant 0 : index
    %swap3A_13 = arith.constant 0 : index
    %swap3A_14 = vector.load %arg2[%swap3A, %swap3A_13] : memref<10240x128xf32, #tpu.memory_space<vmem>>, vector<10240x128xf32>
    tpu.vector_store %arg2[%swap3A, %swap3A_13], %add3A_12 {strides = array<i32>} : memref<10240x128xf32, #tpu.memory_space<vmem>>, vector<10240x128xf32>,
    return
  }
}

module attributes {stable_mosaic.version = 14 : i64} {
  func.func @_mlp_body(%arg0: memref<10240x128xf32, #tpu.memory_space<vmem>>, %arg1: memref<2x10240x128xf32, #tpu.memory_space<vmem>>, %arg2: memref<128x128xf32, #tpu.memory_space<vmem>>, %arg3: memref<1x128xf32, #tpu.memory_space<vmem>>, %arg4: memref<1x128xf32, #tpu.memory_space<vmem>>, %arg5: memref<1x128xf32, #tpu.memory_space<vmem>>, %arg6: memref<128x128xf32, #tpu.memory_space<vmem>>, %arg7: memref<1x128xf32, #tpu.memory_space<vmem>>, %arg8: memref<1x128xf32, #tpu.memory_space<vmem>>, %arg9: memref<1x128xf32, #tpu.memory_space<vmem>>, %arg10: memref<10000x128xf32, #tpu.memory_space<vmem>>) attributes {dimension_semantics = [], scalar_prefetch = 0 : i64, scratch_operands = 0 : i64, tpu.core_type = #tpu.core_type<tc>} {
    %get3A = arith.constant 0 : index
    %get3A_0 = arith.constant 0 : index
    %get3A_1 = vector.load %arg0[%get3A, %get3A_0] : memref<10240x128xf32, #tpu.memory_space<vmem>>, vector<10240x128xf32>
    %get3A_2 = arith.constant 0 : index
    %get3A_3 = arith.constant 0 : index
    %get3A_4 = arith.constant 0 : index
    %get3A_5 = vector.load %arg1[%get3A_2, %get3A_3, %get3A_4] : memref<2x10240x128xf32, #tpu.memory_space<vmem>>, vector<1x10240x128xf32>
    %get3A_6 = vector.shape_cast %get3A_5 : vector<1x10240x128xf32> to vector<10240x128xf32>
    %add3A = arith.addf %get3A_1, %get3A_6 : vector<10240x128xf32>
    %get3A_7 = arith.constant 1 : index
    %get3A_8 = arith.constant 0 : index
    %get3A_9 = arith.constant 0 : index
    %get3A_10 = vector.load %arg1[%get3A_7, %get3A_8, %get3A_9] : memref<2x10240x128xf32, #tpu.memory_space<vmem>>, vector<1x10240x128xf32>
    %get3A_11 = vector.shape_cast %get3A_10 : vector<1x10240x128xf32> to vector<10240x128xf32>
    %add3A_12 = arith.addf %add3A, %get3A_11 : vector<10240x128xf32>
    %iota3A = tpu.iota {dimensions = array<i32: 0>} : vector<10240x1xi32>
    %lt3A = arith.constant 10000 : i32
    %lt3A_13 = vector.broadcast %lt3A : i32 to vector<10240x1xi32>
    %lt3A_14 = arith.cmpi slt, %iota3A, %lt3A_13 : vector<10240x1xi32>
    %get3A_15 = arith.constant 0 : index
    %get3A_16 = arith.constant 0 : index
    %get3A_17 = vector.load %arg2[%get3A_15, %get3A_16] : memref<128x128xf32, #tpu.memory_space<vmem>>, vector<128x128xf32>
    %dot_general3A = arith.constant dense<0.000000e+00> : vector<10240x128xf32>
    %dot_general3A_18 = tpu.matmul %add3A_12, %get3A_17, %dot_general3A {dimension_numbers = #tpu.dot_dimension_numbers<[1], [0], [0], [1], [0, 0, 1, 1], [], []>, transpose_lhs_hint = false} : vector<10240x128xf32>, vector<128x128xf32>, vector<10240x128xf32> -> vector<10240x128xf32>
    %get3A_19 = arith.constant 0 : index
    %get3A_20 = arith.constant 0 : index
    %get3A_21 = vector.load %arg3[%get3A_19, %get3A_20] : memref<1x128xf32, #tpu.memory_space<vmem>>, vector<1x128xf32>
    %add3A_22 = vector.broadcast %get3A_21 : vector<1x128xf32> to vector<10240x128xf32>
    %add3A_23 = arith.addf %dot_general3A_18, %add3A_22 : vector<10240x128xf32>
    %jit3A = arith.constant 0.000000e+00 : f32
    %broadcast_in_dim3A = vector.shape_cast %lt3A_14 : vector<10240x1xi1> to vector<10240x1xi1>
    %broadcast_in_dim3A_24 = vector.broadcast %broadcast_in_dim3A : vector<10240x1xi1> to vector<10240x128xi1>
    %broadcast_in_dim3A_25 = vector.broadcast %jit3A : f32 to vector<10240x128xf32>
    %select_n3A = arith.select %broadcast_in_dim3A_24, %add3A_23, %broadcast_in_dim3A_25 : vector<10240x128xi1>, vector<10240x128xf32>
    %reduce_sum3A = arith.constant dense<0.000000e+00> : vector<128xf32>
    %reduce_sum3A_26 = vector.multi_reduction <add>, %select_n3A, %reduce_sum3A [0] : vector<10240x128xf32> to vector<128xf32>
    %broadcast_in_dim3A_27 = vector.shape_cast %reduce_sum3A_26 : vector<128xf32> to vector<1x128xf32>
    %div3A = arith.constant 1.000000e+04 : f32
    %div3A_28 = vector.broadcast %div3A : f32 to vector<1x128xf32>
    %div3A_29 = arith.divf %broadcast_in_dim3A_27, %div3A_28 : vector<1x128xf32>
    %sub3A = vector.broadcast %div3A_29 : vector<1x128xf32> to vector<10240x128xf32>
    %sub3A_30 = arith.subf %add3A_23, %sub3A : vector<10240x128xf32>
    %jit3A_31 = arith.constant 0.000000e+00 : f32
    %broadcast_in_dim3A_32 = vector.shape_cast %lt3A_14 : vector<10240x1xi1> to vector<10240x1xi1>
    %broadcast_in_dim3A_33 = vector.broadcast %broadcast_in_dim3A_32 : vector<10240x1xi1> to vector<10240x128xi1>
    %broadcast_in_dim3A_34 = vector.broadcast %jit3A_31 : f32 to vector<10240x128xf32>
    %select_n3A_35 = arith.select %broadcast_in_dim3A_33, %sub3A_30, %broadcast_in_dim3A_34 : vector<10240x128xi1>, vector<10240x128xf32>
    %mul3A = arith.mulf %select_n3A_35, %select_n3A_35 : vector<10240x128xf32>
    %reduce_sum3A_36 = arith.constant dense<0.000000e+00> : vector<128xf32>
    %reduce_sum3A_37 = vector.multi_reduction <add>, %mul3A, %reduce_sum3A_36 [0] : vector<10240x128xf32> to vector<128xf32>
    %broadcast_in_dim3A_38 = vector.shape_cast %reduce_sum3A_37 : vector<128xf32> to vector<1x128xf32>
    %div3A_39 = arith.constant 1.000000e+04 : f32
    %div3A_40 = vector.broadcast %div3A_39 : f32 to vector<1x128xf32>
    %div3A_41 = arith.divf %broadcast_in_dim3A_38, %div3A_40 : vector<1x128xf32>
    %sub3A_42 = vector.broadcast %div3A_29 : vector<1x128xf32> to vector<10240x128xf32>
    %sub3A_43 = arith.subf %add3A_23, %sub3A_42 : vector<10240x128xf32>
    %add3A_44 = arith.constant 9.99999974E-6 : f32
    %add3A_45 = vector.broadcast %add3A_44 : f32 to vector<1x128xf32>
    %add3A_46 = arith.addf %div3A_41, %add3A_45 : vector<1x128xf32>
    %sqrt3A = math.sqrt %add3A_46 : vector<1x128xf32>
    %div3A_47 = vector.broadcast %sqrt3A : vector<1x128xf32> to vector<10240x128xf32>
    %div3A_48 = arith.divf %sub3A_43, %div3A_47 : vector<10240x128xf32>
    %get3A_49 = arith.constant 0 : index
    %get3A_50 = arith.constant 0 : index
    %get3A_51 = vector.load %arg4[%get3A_49, %get3A_50] : memref<1x128xf32, #tpu.memory_space<vmem>>, vector<1x128xf32>
    %mul3A_52 = vector.broadcast %get3A_51 : vector<1x128xf32> to vector<10240x128xf32>
    %mul3A_53 = arith.mulf %div3A_48, %mul3A_52 : vector<10240x128xf32>
    %get3A_54 = arith.constant 0 : index
    %get3A_55 = arith.constant 0 : index
    %get3A_56 = vector.load %arg5[%get3A_54, %get3A_55] : memref<1x128xf32, #tpu.memory_space<vmem>>, vector<1x128xf32>
    %add3A_57 = vector.broadcast %get3A_56 : vector<1x128xf32> to vector<10240x128xf32>
    %add3A_58 = arith.addf %mul3A_53, %add3A_57 : vector<10240x128xf32>
    %max3A = arith.constant 0.000000e+00 : f32
    %max3A_59 = vector.broadcast %max3A : f32 to vector<10240x128xf32>
    %max3A_60 = arith.maximumf %add3A_58, %max3A_59 : vector<10240x128xf32>
    %jit3A_61 = arith.constant 0.000000e+00 : f32
    %broadcast_in_dim3A_62 = vector.shape_cast %lt3A_14 : vector<10240x1xi1> to vector<10240x1xi1>
    %broadcast_in_dim3A_63 = vector.broadcast %broadcast_in_dim3A_62 : vector<10240x1xi1> to vector<10240x128xi1>
    %broadcast_in_dim3A_64 = vector.broadcast %jit3A_61 : f32 to vector<10240x128xf32>
    %select_n3A_65 = arith.select %broadcast_in_dim3A_63, %max3A_60, %broadcast_in_dim3A_64 : vector<10240x128xi1>, vector<10240x128xf32>
    %get3A_66 = arith.constant 0 : index
    %get3A_67 = arith.constant 0 : index
    %get3A_68 = vector.load %arg6[%get3A_66, %get3A_67] : memref<128x128xf32, #tpu.memory_space<vmem>>, vector<128x128xf32>
    %dot_general3A_69 = arith.constant dense<0.000000e+00> : vector<10240x128xf32>
    %dot_general3A_70 = tpu.matmul %select_n3A_65, %get3A_68, %dot_general3A_69 {dimension_numbers = #tpu.dot_dimension_numbers<[1], [0], [0], [1], [0, 0, 1, 1], [], []>, transpose_lhs_hint = false} : vector<10240x128xf32>, vector<128x128xf32>, vector<10240x128xf32> -> vector<10240x128xf32>
    %get3A_71 = arith.constant 0 : index
    %get3A_72 = arith.constant 0 : index
    %get3A_73 = vector.load %arg7[%get3A_71, %get3A_72] : memref<1x128xf32, #tpu.memory_space<vmem>>, vector<1x128xf32>
    %add3A_74 = vector.broadcast %get3A_73 : vector<1x128xf32> to vector<10240x128xf32>
    %add3A_75 = arith.addf %dot_general3A_70, %add3A_74 : vector<10240x128xf32>
    %jit3A_76 = arith.constant 0.000000e+00 : f32
    %broadcast_in_dim3A_77 = vector.shape_cast %lt3A_14 : vector<10240x1xi1> to vector<10240x1xi1>
    %broadcast_in_dim3A_78 = vector.broadcast %broadcast_in_dim3A_77 : vector<10240x1xi1> to vector<10240x128xi1>
    %broadcast_in_dim3A_79 = vector.broadcast %jit3A_76 : f32 to vector<10240x128xf32>
    %select_n3A_80 = arith.select %broadcast_in_dim3A_78, %add3A_75, %broadcast_in_dim3A_79 : vector<10240x128xi1>, vector<10240x128xf32>
    %reduce_sum3A_81 = arith.constant dense<0.000000e+00> : vector<128xf32>
    %reduce_sum3A_82 = vector.multi_reduction <add>, %select_n3A_80, %reduce_sum3A_81 [0] : vector<10240x128xf32> to vector<128xf32>
    %broadcast_in_dim3A_83 = vector.shape_cast %reduce_sum3A_82 : vector<128xf32> to vector<1x128xf32>
    %div3A_84 = arith.constant 1.000000e+04 : f32
    %div3A_85 = vector.broadcast %div3A_84 : f32 to vector<1x128xf32>
    %div3A_86 = arith.divf %broadcast_in_dim3A_83, %div3A_85 : vector<1x128xf32>
    %sub3A_87 = vector.broadcast %div3A_86 : vector<1x128xf32> to vector<10240x128xf32>
    %sub3A_88 = arith.subf %add3A_75, %sub3A_87 : vector<10240x128xf32>
    %jit3A_89 = arith.constant 0.000000e+00 : f32
    %broadcast_in_dim3A_90 = vector.shape_cast %lt3A_14 : vector<10240x1xi1> to vector<10240x1xi1>
    %broadcast_in_dim3A_91 = vector.broadcast %broadcast_in_dim3A_90 : vector<10240x1xi1> to vector<10240x128xi1>
    %broadcast_in_dim3A_92 = vector.broadcast %jit3A_89 : f32 to vector<10240x128xf32>
    %select_n3A_93 = arith.select %broadcast_in_dim3A_91, %sub3A_88, %broadcast_in_dim3A_92 : vector<10240x128xi1>, vector<10240x128xf32>
    %mul3A_94 = arith.mulf %select_n3A_93, %select_n3A_93 : vector<10240x128xf32>
    %reduce_sum3A_95 = arith.constant dense<0.000000e+00> : vector<128xf32>
    %reduce_sum3A_96 = vector.multi_reduction <add>, %mul3A_94, %reduce_sum3A_95 [0] : vector<10240x128xf32> to vector<128xf32>
    %broadcast_in_dim3A_97 = vector.shape_cast %reduce_sum3A_96 : vector<128xf32> to vector<1x128xf32>
    %div3A_98 = arith.constant 1.000000e+04 : f32
    %div3A_99 = vector.broadcast %div3A_98 : f32 to vector<1x128xf32>
    %div3A_100 = arith.divf %broadcast_in_dim3A_97, %div3A_99 : vector<1x128xf32>
    %sub3A_101 = vector.broadcast %div3A_86 : vector<1x128xf32> to vector<10240x128xf32>
    %sub3A_102 = arith.subf %add3A_75, %sub3A_101 : vector<10240x128xf32>
    %add3A_103 = arith.constant 9.99999974E-6 : f32
    %add3A_104 = vector.broadcast %add3A_103 : f32 to vector<1x128xf32>
    %add3A_105 = arith.addf %div3A_100, %add3A_104 : vector<1x128xf32>
    %sqrt3A_106 = math.sqrt %add3A_105 : vector<1x128xf32>
    %div3A_107 = vector.broadcast %sqrt3A_106 : vector<1x128xf32> to vector<10240x128xf32>
    %div3A_108 = arith.divf %sub3A_102, %div3A_107 : vector<10240x128xf32>
    %get3A_109 = arith.constant 0 : index
    %get3A_110 = arith.constant 0 : index
    %get3A_111 = vector.load %arg8[%get3A_109, %get3A_110] : memref<1x128xf32, #tpu.memory_space<vmem>>, vector<1x128xf32>
    %mul3A_112 = vector.broadcast %get3A_111 : vector<1x128xf32> to vector<10240x128xf32>
    %mul3A_113 = arith.mulf %div3A_108, %mul3A_112 : vector<10240x128xf32>
    %get3A_114 = arith.constant 0 : index
    %get3A_115 = arith.constant 0 : index
    %get3A_116 = vector.load %arg9[%get3A_114, %get3A_115] : memref<1x128xf32, #tpu.memory_space<vmem>>, vector<1x128xf32>
    %add3A_117 = vector.broadcast %get3A_116 : vector<1x128xf32> to vector<10240x128xf32>
    %add3A_118 = arith.addf %mul3A_113, %add3A_117 : vector<10240x128xf32>
    %max3A_119 = arith.constant 0.000000e+00 : f32
    %max3A_120 = vector.broadcast %max3A_119 : f32 to vector<10240x128xf32>
    %max3A_121 = arith.maximumf %add3A_118, %max3A_120 : vector<10240x128xf32>
    %slice3A = vector.extract_strided_slice %max3A_121 {offsets = [0, 0], sizes = [10000, 128], strides = [1, 1]} : vector<10240x128xf32> to vector<10000x128xf32>
    %swap3A = arith.constant 0 : index
    %swap3A_122 = arith.constant 0 : index
    %swap3A_123 = vector.load %arg10[%swap3A, %swap3A_122] : memref<10000x128xf32, #tpu.memory_space<vmem>>, vector<10000x128xf32>
    tpu.vector_store %arg10[%swap3A, %swap3A_122], %slice3A {strides = array<i32>} : memref<10000x128xf32, #tpu.memory_space<vmem>>, vector<10000x128xf32>,
    return
  }
}

</mosaic_0001>

<sc_bundles>
// kernel: kernel.11.cloned.1.call-start
scs
__scs_entry_jumppad:
0x0: {  	(pc) =	sbr.rel $0x88, $3  }
0x1: {  	(tag) =	ssettag $0x0;
	lr =	simm.s32 $0x1  }
0x2: {  	[smem:$0x3F90] =	sst lr;
	_ =	strace $0xD0000000  }
0x3: {  	_ = 	snop  }
0x4: {  	_ = 	snop  }
0x5: {  	_ = 	snop  }
0x6: {  	_ = 	snop  }
0x7: {  	_ = 	snop  }
__scs_overlays_trampoline_lowered:
0x8: {  	[smem:$0x3F9F] =	sst s0  }
0x9: {  	[smem:$0x3FA0] =	sst s1  }
0xa: {  	[smem:$0x3FA1] =	sst s2  }
0xb: {  	[smem:$0x3FA2] =	sst s3  }
0xc: {  	[smem:$0x3FA3] =	sst s4  }
0xd: {  	[smem:$0x3FA4] =	sst s5  }
0xe: {  	[smem:$0x3FA5] =	sst s6  }
0xf: {  	[smem:$0x3FA6] =	sst s7  }
0x10: {  	[smem:$0x3FA7] =	sst s8  }
0x11: {  	[smem:$0x3FA8] =	sst s9;
	s0 =	simm.s32 @!p0 $0x0  }
0x12: {  	s1 =	sld [smem:$0x3F8E];
	s0 =	simm.s32 @p0 $0x1  }
0x13: {  	[smem:$0x3FA9] =	sst s0;
	s0 =	simm.s32 @!p1 $0x0  }
0x14: {  	s2 =	sld [smem:$0x3F8D];
	s0 =	simm.s32 @p1 $0x1  }
0x15: {  	[smem:$0x3FAA] =	sst s0;
	s0 =	simm.s32 @!p2 $0x0  }
0x16: {  	s3 =	sld [smem:$0x3FDB];
	s0 =	simm.s32 @p2 $0x1  }
0x17: {  	s4 =	simm.s32 $0x1BF5;
	[smem:$0x3FAC] =	sst s0  }
0x18: {  	s0 =	sld [smem:$0x3F8F];
	_ =	swait.ge [sflag:s4], $0x0  }
0x19: {  	s7 =	sld [smem:$0x3F90]  }
0x1a: {  	s8 =	sadd.s32 $0xFFFFE003, lr  }
0x1b: {  	s9 =	sadd.s32 $0xFFFFFEF7, lr;
	s5 =	simm.s32 $0xFFFFFFFF;
	p2 =	slt.u32 s8, $0xFFFFF086  }
0x1c: {  	p1 =	slt.u32 s9, $0xF7A;
	s5 =	simm.s32 @!p2 $0x0  }
0x1d: {  	s5 =	simm.s32 @p1 $0x1;
	p0 =	seq.s32 s7, s2  }
0x1e: {  	s7 =	smul.u32 @!p0 $0xF7A, s2;
	p2 =	seq.s32 @!p0 s5, $0x0  }
0x1f: {  	s9 =	smul.u32 $0xF7A, s1;
	s8 =	simm.s32 @!p0 $0x1BF5;
	p2 =	por !p2, p0  }
0x20: {  	[sflag:s8] =	ssyncset.s32 @!p0 $0xFFFFF086;
	s6 =	sadd.s32 @!p0 s3, s7;
	s7 =	simm.s32 @!p0 $0x108  }
0x21: {  	s3 =	sadd.s32 s3, s9;
	s6 =	sadd.s32 @!p0 $0x88, s6;
	s7 =	simm.s32 @p2 $0x1082  }
0x22: {  	[simem:s7], [sflag:s8] =	dma.local @!p0 [hbm:s6], $0xF7A  }
0x23: {  	s9 =	sor.u32 $0xD0000000, s2;
	s6 =	simm.s32 $0x108;
	_ =	swait.ge @!p0 [sflag:s8], $0x0  }
0x24: {  	s3 =	sadd.s32 $0x88, s3;
	s6 =	simm.s32 @!p1 $0x1082;
	[sflag:s4] =	ssyncset.s32 $0xFFFFF086  }
0x25: {  	[simem:s6], [sflag:s4] =	dma.local [hbm:s3], $0xF7A  }
0x26: {  	[smem:$0x3F90] =	sst s1;
	(tag) =	ssettag s2;
	_ =	strace s9  }
0x27: {  	s1 =	sld [smem:$0x3FA0]  }
0x28: {  	s2 =	sld [smem:$0x3FA1]  }
0x29: {  	s4 =	sld [smem:$0x3FA3]  }
0x2a: {  	p0 =	seq.s32 s5, $0x0;
	s5 =	sld [smem:$0x3FA4]  }
0x2b: {  	s6 =	sld [smem:$0x3FA5]  }
0x2c: {  	s7 =	sld [smem:$0x3FA6]  }
0x2d: {  	s3 =	simm.s32 $0x108;
	s8 =	sld [smem:$0x3FA7]  }
0x2e: {  	s3 =	simm.s32 @!p0 $0x1082;
	s9 =	sld [smem:$0x3FA8]  }
0x2f: {  	lr =	sadd.s32 s0, s3;
	s0 =	sld [smem:$0x3F9F]  }
0x30: {  	s3 =	sld [smem:$0x3FA2]  }
0x31: {  	[smem:$0x3FAB] =	sst s10  }
0x32: {  	s10 =	sld [smem:$0x3FA9];
	_ =	sdelay $0x3  }
0x33: {  	p0 =	seq.s32 s10, $0x1;
	s10 =	sld [smem:$0x3FAB];
	_ =	sdelay $0x3  }
0x34: {  	[smem:$0x3FAB] =	sst s10  }
0x35: {  	s10 =	sld [smem:$0x3FAA];
	_ =	sdelay $0x3  }
0x36: {  	p1 =	seq.s32 s10, $0x1;
	s10 =	sld [smem:$0x3FAB];
	_ =	sdelay $0x3  }
0x37: {  	[smem:$0x3FAB] =	sst s10  }
0x38: {  	s10 =	sld [smem:$0x3FAC]  }
0x39: {  	_ = 	snop;
	(pc) =	sbr.ind lr, $3  }
0x3a: {  	_ = 	snop  }
0x3b: {  	_ = 	snop  }
0x3c: {  	p2 =	seq.s32 s10, $0x1;
	s10 =	sld [smem:$0x3FAB]  }
0x3d: {  	_ =	shalt  }
0x3e: {  	_ =	shalt  }
0x3f: {  	_ =	shalt  }
0x40: {  	_ =	shalt  }
0x41: {  	_ =	shalt  }
0x42: {  	_ =	shalt  }
0x43: {  	_ =	shalt  }
0x44: {  	_ =	shalt  }
0x45: {  	_ =	shalt  }
0x46: {  	_ =	shalt  }
0x47: {  	_ =	shalt  }
0x48: {  	_ =	shalt  }
0x49: {  	_ =	shalt  }
0x4a: {  	_ =	shalt  }
0x4b: {  	_ =	shalt  }
0x4c: {  	_ =	shalt  }
0x4d: {  	_ =	shalt  }
0x4e: {  	_ =	shalt  }
0x4f: {  	_ =	shalt  }
0x50: {  	_ =	shalt  }
0x51: {  	_ =	shalt  }
0x52: {  	_ =	shalt  }
0x53: {  	_ =	shalt  }
0x54: {  	_ =	shalt  }
0x55: {  	_ =	shalt  }
0x56: {  	_ =	shalt  }
0x57: {  	_ =	shalt  }
0x58: {  	_ =	shalt  }
0x59: {  	_ =	shalt  }
0x5a: {  	_ =	shalt  }
0x5b: {  	_ =	shalt  }
0x5c: {  	_ =	shalt  }
0x5d: {  	_ =	shalt  }
0x5e: {  	_ =	shalt  }
0x5f: {  	_ =	shalt  }
0x60: {  	_ =	shalt  }
0x61: {  	_ =	shalt  }
0x62: {  	_ =	shalt  }
0x63: {  	_ =	shalt  }
0x64: {  	_ =	shalt  }
0x65: {  	_ =	shalt  }
0x66: {  	_ =	shalt  }
0x67: {  	_ =	shalt  }
0x68: {  	_ =	shalt  }
0x69: {  	_ =	shalt  }
0x6a: {  	_ =	shalt  }
0x6b: {  	_ =	shalt  }
0x6c: {  	_ =	shalt  }
0x6d: {  	_ =	shalt  }
0x6e: {  	_ =	shalt  }
0x6f: {  	_ =	shalt  }
0x70: {  	_ =	shalt  }
0x71: {  	_ =	shalt  }
0x72: {  	_ =	shalt  }
0x73: {  	_ =	shalt  }
0x74: {  	_ =	shalt  }
0x75: {  	_ =	shalt  }
0x76: {  	_ =	shalt  }
0x77: {  	_ =	shalt  }
0x78: {  	_ =	shalt  }
0x79: {  	_ =	shalt  }
0x7a: {  	_ =	shalt  }
0x7b: {  	_ =	shalt  }
0x7c: {  	_ =	shalt  }
0x7d: {  	_ =	shalt  }
0x7e: {  	_ =	shalt  }
0x7f: {  	_ =	shalt  }
0x80: {  	_ =	shalt  }
0x81: {  	_ =	shalt  }
0x82: {  	_ =	shalt  }
0x83: {  	_ =	shalt  }
0x84: {  	_ =	shalt  }
0x85: {  	_ =	shalt  }
0x86: {  	_ =	shalt  }
0x87: {  	_ =	shalt  }
.Lfunc_end0:
.L_simem_size_0:
called_computation.1_lowered:
.L_overlay_start_0:
0x88: {  	s2 =	sld [smem:$0x3FD9]  }
0x89: {  	s3 =	sld [smem:$0x3FFE];
	_ =	sdelay $0x1  }
0x8a: {  	s1 =	srdreg.scid  }
0x8b: {  	s0 =	sand.u32 $0x1, s1  }
0x8c: {  	s17 =	sshll.u32 s0, $0xA;
	s2 =	sadd.s32 s3, s2  }
0x8d: {  	s2 =	sadd.s32 s2, s17  }
0x8e: {  	[smem:$0x3FB7] =	sst s2  }
0x8f: {  	_ = 	snop  }
0x90: {  	s2 =	sld [smem:$0x3FD0];
	(tm) =	ssettm $0x1  }
0x91: {  	s18 =	sld [smem:$0x3FFB];
	_ =	sdelay $0x3  }
0x92: {  	_ =	strace s18  }
0x93: {  	s3 =	sld [smem:$0x3FFC];
	_ =	sdelay $0x3  }
0x94: {  	_ =	strace s3  }
0x95: {  	s3 =	sld [smem:$0x3FFD];
	_ =	sdelay $0x3  }
0x96: {  	_ =	strace s3  }
0x97: {  	_ =	strace $0x8FFFFFFF  }
0x98: {  	s19 =	sld [smem:$0x3FDB];
	_ =	sdelay $0x1  }
0x99: {  	s4 =	simm.s32 $_scs_section_size  }
0x9a: {  	s5 =	simm.s32 $_size__tile_overlayer_lowered;
	s6 =	simm.s32 $_tile_overlayer_lowered  }
0x9b: {  	s22 =	simm.s32 $0x1BFF;
	s21 =	sshll.u32 s6, $0x1;
	s3 =	sadd.s32 s4, s19  }
0x9c: {  	s7 =	simm.s32 $0x0;
	s20 =	sshll.u32 s5, $0x1;
	s5 =	sadd.s32 s21, s3  }
0x9d: {  	[timem:s7], [sflag:s22] =	dma.local [hbm:s5], s20  }
0x9e: {  	_ =	swait.ge [sflag:s22], s20  }
0x9f: {  	s4 =	ssub.s32 $0x0, s20;
	[sflag:s22] =	ssyncset.done $0x0  }
0xa0: {  	[sflag:s22] =	ssyncadd.s32 s4;
	_ =	sdelay $0x1  }
0xa1: {  	s23 =	simm.s32 $0x1B8B  }
0xa2: {  	_ =	swait.ge [sflag:s23], $0x1  }
0xa3: {  	[sflag:s23] =	ssyncset.done $0x0  }
0xa4: {  	s25 =	simm.s32 $0x1B8E;
	s24 =	sld [smem:$0x3FFE];
	[sflag:s23] =	ssyncadd.s32 $0xFFFFFFFF  }
0xa5: {  	s26 =	simm.s32 $execute0_lowered;
	[smem:$0x3FD2] =	sst s25  }
0xa6: {  	s5 =	sshll.u32 s26, $0x1;
	_ =	strace $0x80000049;
	[dreg:$0x1] =	wrdreg $0xFFFFFFFF  }
0xa7: {  	s28 =	simm.s32 $_size_execute0_lowered;
	s3 =	sadd.s32 s3, s5;
	[dreg:$0x0] =	wrdreg $0x0  }
0xa8: {  	s5 =	sshll.u32 s28, $0x1;
	[dreg:$0x2] =	wrdreg s3  }
0xa9: {  	[dreg:$0x3] =	wrdreg s5  }
0xaa: {  	[dreg:$0x4] =	wrdreg $0xC0  }
0xab: {  	_ =	task [dreg:s7], $0x5FFFF  }
0xac: {  	[dreg:$0x1] =	wrdreg $0xFFFFFFFF  }
0xad: {  	[dreg:$0x0] =	wrdreg $0x60  }
0xae: {  	[dreg:$0x2] =	wrdreg s24  }
0xaf: {  	[dreg:$0x3] =	wrdreg s2  }
0xb0: {  	[dreg:$0x4] =	wrdreg $0xA8000  }
0xb1: {  	[dreg:$0x5] =	wrdreg $0x9  }
0xb2: {  	_ =	task.clear_ibuf [dreg:s7], $0x6FFFF;
	_ =	strace $0x90000049  }
0xb3: {  	s29 =	simm.s32 $0x9;
	_ =	strace $0x8000004B  }
0xb4: {  	_ =	swait.ge [sflag:s29], $0x1  }
0xb5: {  	[sflag:s29] =	ssyncadd.s32 $0xFFFFFFFF  }
0xb6: {  	_ =	strace $0x9000004B  }
0xb7: {  	_ =	sfence  }
0xb8: {  	s30 =	sld [smem:$0x0];
	_ =	sdelay $0x2  }
0xb9: {  	s31 =	sshll.u32 s1, $0xD;
	s1 =	sshrl.u32 s1, $0x2  }
0xba: {  	s3 =	sand.u32 $0x4000, s31;
	s1 =	sadd.s32 s1, s30  }
0xbb: {  	s0 =	sor.u32 s3, s0;
	s1 =	sshll.u32 s1, $0x11  }
0xbc: {  	s0 =	sor.u32 s1, s0  }
0xbd: {  	s0 =	sadd.s32 $0x8F2B, s0  }
0xbe: {  	[sflag:s0] =	ssyncadd.remote.s32 $0x1  }
0xbf: {  	_ =	sfence.sel $0xFFFF  }
0xc0: {  	[dreg:$0x0] =	wrdreg $0xFFFFFFFF;
	(pc) =	sbr.abs _section_cstart, $3  }
0xc1: {  	[dreg:$0x1] =	wrdreg $0xFFFFFFFF  }
0xc2: {  	_ =	task.clear_ibuf [dreg:s7], $0x2FFFF;
	_ =	strace $0x9FFFFFFF  }
0xc3: {  	(tm) =	ssettm $0x7FFFFFFF  }
tec
execute0_lowered:
.L_overlay_start_1:
0x0: {  	(tag) =	ssettag $0x1  }
0x1: {  	s5 =	rddreg [dreg:$0x0]  }
0x2: {  	s1 =	srdreg.scid;
	s8 =	rddreg [dreg:$0x1]  }
0x3: {  	s0 =	stileid.u32;
	s2 =	rddreg [dreg:$0x2]  }
0x4: {  	s3 =	simm.s32 $0x0;
	s15 =	simm.s32 $0x6800;
	s16 =	simm.s32 $0x1  }
0x5: {  	s17 =	simm.s32 $0x2;
	s18 =	simm.s32 $0x1380;
	s19 =	simm.s32 $0x2700  }
0x6: {  	s20 =	simm.s32 $0x2780;
	s6 =	sand.u32 $0x1, s1;
	s23 =	smul.u32 $0x2800, s0  }
0x7: {  	s26 =	sshll.u32 s0, $0x1;
	[smem:$0x7FF] =	sst s3;
	s10 =	smul.u32 $0x50000, s0  }
0x8: {  	s4 =	sadd.s32 $0x2AC00, s5;
	s1 =	sor.u32 s6, s26;
	s7 =	smul.u32 $0x28000, s6  }
0x9: {  	s31 =	sshll.u32 s0, $0x6;
	s6 =	ssub.s32 $0x2, s6;
	s9 =	smul.u32 $0x500, s1  }
0xa: {  	s1 =	rddreg [dreg:$0x3];
	_ =	strace $0x8000004A;
	s12 =	sadd.s32 s23, s5  }
0xb: {  	s28 =	sshrl.u32 s6, $0x1;
	s29 =	sshrl.u32 s10, $0x2;
	s13 =	sadd.s32 s7, s5  }
0xc: {  	s30 =	ssub.s32 s6, s28;
	s14 =	sadd.s32 s29, s2;
	s6 =	sor.u32 $0x1C03, s31  }
0xd: {  	s11 =	sadd.s32 s9, s5;
	s5 =	sadd.s32 $0x2C00, s12;
	s8 =	sadd.s32 s8, s9  }
0xe: {  	s24 =	sadd.s32 $0x84C00, s13;
	s9 =	smax.u32 s30, $0x1;
	s10 =	sshrl.u32 s14, $0x3  }
0xf: {  	s12 =	simm.s32 $0x1400;
	s13 =	simm.s32 $0x80;
	s14 =	simm.s32 $0x2800  }
0x10: {  	s7 =	sadd.s32 $0x7AC00, s11;
	s11 =	simm.s32 $0x3;
	s22 =	sadd.s32 $0x280, s8  }
0x11: {  	s23 =	sadd.s32 s23, s24;
	s24 =	simm.s32 $0x0;
	s21 =	sadd.s32 $0x280, s7  }
.LBB2_1:
0x12: {  	[spmem:s10], [sflag:s6] =	dma.local [hbm:s5], $0x2800  }
0x13: {  	_ =	swait.ge [sflag:s11], $0x2800  }
0x14: {  	[sflag:s11] =	ssyncset.done $0x0  }
0x15: {  	[sflag:s11] =	ssyncadd.s32 $0xFFFFD800  }
0x16: {  	[bflag:$0x0] =	sbarrier.arrive $0xFFFF  }
0x17: {  	[tilespmem:s3], [sflag:$0x3] =	stream.linear.gather [hbm4b:s7+s3], $0x1400, $0x38;
	[tilespmem:$0x1E800] =	vst v63  }
0x18: {  	_ =	swait.ge [sflag:s11], $0x1400  }
0x19: {  	[sflag:s11] =	ssyncset.done $0x0  }
0x1a: {  	[sflag:s11] =	ssyncadd.s32 $0xFFFFEC00  }
0x1b: {  	[tilespmem:s12], [sflag:$0x3] =	stream.linear.gather [hbm4b:s8+s3], $0x1400, $0x38;
	[tilespmem:$0x1E800] =	vst v63  }
0x1c: {  	_ =	swait.ge [sflag:s11], $0x1400  }
0x1d: {  	[sflag:s11] =	ssyncset.done $0x0  }
0x1e: {  	[sflag:s11] =	ssyncadd.s32 $0xFFFFEC00  }
0x1f: {  	[tilespmem:s14], [sflag:$0x1] =	stream.indirect.gather [hbm4b:s4+s13], $0x80, s3, s13, $0xb8;
	[tilespmem:$0x1E800] =	vst v63  }
0x20: {  	s25 =	simm.s32 $0x80  }
0x21: {  	[tilespmem:s15], [sflag:$0x2] =	stream.indirect.gather [hbm4b:s4+s13], $0x80, s25, s13, $0xb8;
	[tilespmem:$0x1E800] =	vst v63  }
0x22: {  	_ =	swait.ge [sflag:s16], $0x4000  }
0x23: {  	[sflag:s16] =	ssyncset.done $0x0  }
0x24: {  	s29 =	simm.s32 $0x1400;
	[sflag:s16] =	ssyncadd.s32 $0xFFFFC000  }
0x25: {  	[spmem:s2] =	stream.indirect.scatter.add.f32 [tilespmem:s14], [sflag:$0x3], $0x80, s29, s13, $0xb8;
	[tilespmem:$0x1E800] =	vst v63  }
0x26: {  	_ =	swait.ge [sflag:s11], $0x4000  }
0x27: {  	[sflag:s11] =	ssyncset.done $0x0  }
0x28: {  	s30 =	simm.s32 $0x100;
	[sflag:s11] =	ssyncadd.s32 $0xFFFFC000  }
0x29: {  	[tilespmem:s14], [sflag:$0x1] =	stream.indirect.gather [hbm4b:s4+s13], $0x80, s30, s13, $0xb8;
	[tilespmem:$0x1E800] =	vst v63  }
0x2a: {  	_ =	swait.ge [sflag:s17], $0x4000  }
0x2b: {  	[sflag:s17] =	ssyncset.done $0x0  }
0x2c: {  	s31 =	simm.s32 $0x1480;
	[sflag:s17] =	ssyncadd.s32 $0xFFFFC000  }
0x2d: {  	[spmem:s2] =	stream.indirect.scatter.add.f32 [tilespmem:s15], [sflag:$0x3], $0x80, s31, s13, $0xb8;
	[tilespmem:$0x1E800] =	vst v63  }
0x2e: {  	_ =	swait.ge [sflag:s11], $0x4000  }
0x2f: {  	s26 =	simm.s32 $0x800;
	s25 =	simm.s32 $0x100;
	[sflag:s11] =	ssyncset.done $0x0  }
.LBB2_2:
0x30: {  	s28 =	sadd.s32 $0x80, s25  }
0x31: {  	[sflag:s11] =	ssyncadd.s32 $0xFFFFC000;
	s29 =	smov.u32 s26;
	s30 =	sadd.s32 $0x400, s26  }
0x32: {  	[tilespmem:s15], [sflag:$0x2] =	stream.indirect.gather [hbm4b:s4+s13], $0x80, s28, s13, $0xb8;
	[tilespmem:$0x1E800] =	vst v63  }
0x33: {  	p0 =	sne.s32 s26, $0x4800;
	_ =	swait.ge [sflag:s16], $0x4000  }
0x34: {  	[sflag:s16] =	ssyncset.done $0x0  }
0x35: {  	s26 =	sadd.s32 $0x1400, s25;
	[sflag:s16] =	ssyncadd.s32 $0xFFFFC000  }
0x36: {  	[spmem:s2] =	stream.indirect.scatter.add.f32 [tilespmem:s14], [sflag:$0x3], $0x80, s26, s13, $0xb8;
	[tilespmem:$0x1E800] =	vst v63  }
0x37: {  	_ =	swait.ge [sflag:s11], $0x4000  }
0x38: {  	[sflag:s11] =	ssyncset.done $0x0  }
0x39: {  	s26 =	sadd.s32 $0x100, s25;
	[sflag:s11] =	ssyncadd.s32 $0xFFFFC000  }
0x3a: {  	[tilespmem:s14], [sflag:$0x1] =	stream.indirect.gather [hbm4b:s4+s13], $0x80, s26, s13, $0xb8;
	[tilespmem:$0x1E800] =	vst v63  }
0x3b: {  	_ =	swait.ge [sflag:s17], $0x4000  }
.Ltmp0:
0x3c: {  	[sflag:s17] =	ssyncset.done $0x0;
	(pc) =	sbr.rel @p0 .LBB2_2-.Ltmp0, $4  }
0x3d: {  	s25 =	sadd.s32 $0x1480, s25;
	[sflag:s17] =	ssyncadd.s32 $0xFFFFC000  }
0x3e: {  	[spmem:s2] =	stream.indirect.scatter.add.f32 [tilespmem:s15], [sflag:$0x3], $0x80, s25, s13, $0xb8;
	[tilespmem:$0x1E800] =	vst v63  }
0x3f: {  	_ =	swait.ge [sflag:s11], $0x4000  }
0x40: {  	s26 =	smov.u32 s30;
	s25 =	sshra.s32 s29, $0x2;
	[sflag:s11] =	ssyncset.done $0x0  }
0x41: {  	s26 =	sadd.s32 $0x80, s25;
	[sflag:s11] =	ssyncadd.s32 $0xFFFFC000  }
0x42: {  	[tilespmem:s15], [sflag:$0x2] =	stream.indirect.gather [hbm4b:s4+s13], $0x80, s26, s13, $0xb8;
	[tilespmem:$0x1E800] =	vst v63  }
0x43: {  	_ =	swait.ge [sflag:s16], $0x4000  }
0x44: {  	[sflag:s16] =	ssyncset.done $0x0  }
0x45: {  	s29 =	sadd.s32 $0x1400, s25;
	[sflag:s16] =	ssyncadd.s32 $0xFFFFC000  }
0x46: {  	[spmem:s2] =	stream.indirect.scatter.add.f32 [tilespmem:s14], [sflag:$0x3], $0x80, s29, s13, $0xb8;
	[tilespmem:$0x1E800] =	vst v63  }
0x47: {  	_ =	swait.ge [sflag:s11], $0x4000  }
0x48: {  	[sflag:s11] =	ssyncset.done $0x0  }
0x49: {  	s30 =	sadd.s32 $0x100, s25;
	[sflag:s11] =	ssyncadd.s32 $0xFFFFC000  }
0x4a: {  	[tilespmem:s14], [sflag:$0x1] =	stream.indirect.gather [hbm4b:s4+s13], $0x80, s30, s13, $0xb8;
	[tilespmem:$0x1E800] =	vst v63  }
0x4b: {  	_ =	swait.ge [sflag:s17], $0x4000  }
0x4c: {  	[sflag:s17] =	ssyncset.done $0x0  }
0x4d: {  	s31 =	sadd.s32 $0x1480, s25;
	[sflag:s17] =	ssyncadd.s32 $0xFFFFC000  }
0x4e: {  	[spmem:s2] =	stream.indirect.scatter.add.f32 [tilespmem:s15], [sflag:$0x3], $0x80, s31, s13, $0xb8;
	[tilespmem:$0x1E800] =	vst v63  }
0x4f: {  	_ =	swait.ge [sflag:s11], $0x4000  }
0x50: {  	[sflag:s11] =	ssyncset.done $0x0  }
0x51: {  	[sflag:s11] =	ssyncadd.s32 $0xFFFFC000  }
0x52: {  	[tilespmem:s15], [sflag:$0x2] =	stream.indirect.gather [hbm4b:s4+s13], $0x80, s18, s13, $0xb8;
	[tilespmem:$0x1E800] =	vst v63  }
0x53: {  	_ =	swait.ge [sflag:s16], $0x4000  }
0x54: {  	[sflag:s16] =	ssyncset.done $0x0  }
0x55: {  	[sflag:s16] =	ssyncadd.s32 $0xFFFFC000  }
0x56: {  	[spmem:s2] =	stream.indirect.scatter.add.f32 [tilespmem:s14], [sflag:$0x3], $0x80, s19, s13, $0xb8;
	[tilespmem:$0x1E800] =	vst v63  }
0x57: {  	_ =	swait.ge [sflag:s11], $0x4000  }
0x58: {  	[sflag:s11] =	ssyncset.done $0x0  }
0x59: {  	[sflag:s11] =	ssyncadd.s32 $0xFFFFC000  }
0x5a: {  	_ =	swait.ge [sflag:s17], $0x4000  }
0x5b: {  	[sflag:s17] =	ssyncset.done $0x0  }
0x5c: {  	[sflag:s17] =	ssyncadd.s32 $0xFFFFC000  }
0x5d: {  	[spmem:s2] =	stream.indirect.scatter.add.f32 [tilespmem:s15], [sflag:$0x3], $0x80, s20, s13, $0xb8;
	[tilespmem:$0x1E800] =	vst v63  }
0x5e: {  	_ =	swait.ge [sflag:s11], $0x4000  }
0x5f: {  	[sflag:s11] =	ssyncset.done $0x0  }
0x60: {  	s26 =	simm.s32 $0x0;
	[sflag:s11] =	ssyncadd.s32 $0xFFFFC000  }
0x61: {  	[tilespmem:s26], [sflag:$0x3] =	stream.linear.gather [hbm4b:s21+s26], $0x1400, $0x38;
	[tilespmem:$0x1E800] =	vst v63  }
0x62: {  	_ =	swait.ge [sflag:s11], $0x1400  }
0x63: {  	[sflag:s11] =	ssyncset.done $0x0  }
0x64: {  	[sflag:s11] =	ssyncadd.s32 $0xFFFFEC00  }
0x65: {  	[tilespmem:s12], [sflag:$0x3] =	stream.linear.gather [hbm4b:s22+s26], $0x1400, $0x38;
	[tilespmem:$0x1E800] =	vst v63  }
0x66: {  	_ =	swait.ge [sflag:s11], $0x1400  }
0x67: {  	[sflag:s11] =	ssyncset.done $0x0  }
0x68: {  	[sflag:s11] =	ssyncadd.s32 $0xFFFFEC00  }
0x69: {  	[tilespmem:s14], [sflag:$0x1] =	stream.indirect.gather [hbm4b:s4+s13], $0x80, s26, s13, $0xb8;
	[tilespmem:$0x1E800] =	vst v63  }
0x6a: {  	s28 =	simm.s32 $0x80  }
0x6b: {  	[tilespmem:s15], [sflag:$0x2] =	stream.indirect.gather [hbm4b:s4+s13], $0x80, s28, s13, $0xb8;
	[tilespmem:$0x1E800] =	vst v63  }
0x6c: {  	_ =	swait.ge [sflag:s16], $0x4000  }
0x6d: {  	[sflag:s16] =	ssyncset.done $0x0  }
0x6e: {  	s29 =	simm.s32 $0x1400;
	[sflag:s16] =	ssyncadd.s32 $0xFFFFC000  }
0x6f: {  	[spmem:s2] =	stream.indirect.scatter.add.f32 [tilespmem:s14], [sflag:$0x3], $0x80, s29, s13, $0xb8;
	[tilespmem:$0x1E800] =	vst v63  }
0x70: {  	_ =	swait.ge [sflag:s11], $0x4000  }
0x71: {  	[sflag:s11] =	ssyncset.done $0x0  }
0x72: {  	s30 =	simm.s32 $0x100;
	[sflag:s11] =	ssyncadd.s32 $0xFFFFC000  }
0x73: {  	[tilespmem:s14], [sflag:$0x1] =	stream.indirect.gather [hbm4b:s4+s13], $0x80, s30, s13, $0xb8;
	[tilespmem:$0x1E800] =	vst v63  }
0x74: {  	_ =	swait.ge [sflag:s17], $0x4000  }
0x75: {  	[sflag:s17] =	ssyncset.done $0x0  }
0x76: {  	s31 =	simm.s32 $0x1480;
	[sflag:s17] =	ssyncadd.s32 $0xFFFFC000  }
0x77: {  	[spmem:s2] =	stream.indirect.scatter.add.f32 [tilespmem:s15], [sflag:$0x3], $0x80, s31, s13, $0xb8;
	[tilespmem:$0x1E800] =	vst v63  }
0x78: {  	_ =	swait.ge [sflag:s11], $0x4000  }
0x79: {  	s25 =	simm.s32 $0x100;
	s26 =	simm.s32 $0x800;
	[sflag:s11] =	ssyncset.done $0x0  }
.LBB2_4:
0x7a: {  	s28 =	sadd.s32 $0x80, s25  }
0x7b: {  	[sflag:s11] =	ssyncadd.s32 $0xFFFFC000;
	s29 =	smov.u32 s26;
	s30 =	sadd.s32 $0x400, s26  }
0x7c: {  	[tilespmem:s15], [sflag:$0x2] =	stream.indirect.gather [hbm4b:s4+s13], $0x80, s28, s13, $0xb8;
	[tilespmem:$0x1E800] =	vst v63  }
0x7d: {  	p0 =	sne.s32 s26, $0x4800;
	_ =	swait.ge [sflag:s16], $0x4000  }
0x7e: {  	[sflag:s16] =	ssyncset.done $0x0  }
0x7f: {  	s26 =	sadd.s32 $0x1400, s25;
	[sflag:s16] =	ssyncadd.s32 $0xFFFFC000  }
0x80: {  	[spmem:s2] =	stream.indirect.scatter.add.f32 [tilespmem:s14], [sflag:$0x3], $0x80, s26, s13, $0xb8;
	[tilespmem:$0x1E800] =	vst v63  }
0x81: {  	_ =	swait.ge [sflag:s11], $0x4000  }
0x82: {  	[sflag:s11] =	ssyncset.done $0x0  }
0x83: {  	s26 =	sadd.s32 $0x100, s25;
	[sflag:s11] =	ssyncadd.s32 $0xFFFFC000  }
0x84: {  	[tilespmem:s14], [sflag:$0x1] =	stream.indirect.gather [hbm4b:s4+s13], $0x80, s26, s13, $0xb8;
	[tilespmem:$0x1E800] =	vst v63  }
0x85: {  	_ =	swait.ge [sflag:s17], $0x4000  }
.Ltmp1:
0x86: {  	[sflag:s17] =	ssyncset.done $0x0;
	(pc) =	sbr.rel @p0 .LBB2_4-.Ltmp1, $4  }
0x87: {  	s25 =	sadd.s32 $0x1480, s25;
	[sflag:s17] =	ssyncadd.s32 $0xFFFFC000  }
0x88: {  	[spmem:s2] =	stream.indirect.scatter.add.f32 [tilespmem:s15], [sflag:$0x3], $0x80, s25, s13, $0xb8;
	[tilespmem:$0x1E800] =	vst v63  }
0x89: {  	_ =	swait.ge [sflag:s11], $0x4000  }
0x8a: {  	s26 =	smov.u32 s30;
	s25 =	sshra.s32 s29, $0x2;
	[sflag:s11] =	ssyncset.done $0x0  }
0x8b: {  	s26 =	sadd.s32 $0x80, s25;
	[sflag:s11] =	ssyncadd.s32 $0xFFFFC000  }
0x8c: {  	[tilespmem:s15], [sflag:$0x2] =	stream.indirect.gather [hbm4b:s4+s13], $0x80, s26, s13, $0xb8;
	[tilespmem:$0x1E800] =	vst v63  }
0x8d: {  	_ =	swait.ge [sflag:s16], $0x4000  }
0x8e: {  	[sflag:s16] =	ssyncset.done $0x0  }
0x8f: {  	s29 =	sadd.s32 $0x1400, s25;
	[sflag:s16] =	ssyncadd.s32 $0xFFFFC000  }
0x90: {  	[spmem:s2] =	stream.indirect.scatter.add.f32 [tilespmem:s14], [sflag:$0x3], $0x80, s29, s13, $0xb8;
	[tilespmem:$0x1E800] =	vst v63  }
0x91: {  	_ =	swait.ge [sflag:s11], $0x4000  }
0x92: {  	[sflag:s11] =	ssyncset.done $0x0  }
0x93: {  	s30 =	sadd.s32 $0x100, s25;
	[sflag:s11] =	ssyncadd.s32 $0xFFFFC000  }
0x94: {  	[tilespmem:s14], [sflag:$0x1] =	stream.indirect.gather [hbm4b:s4+s13], $0x80, s30, s13, $0xb8;
	[tilespmem:$0x1E800] =	vst v63  }
0x95: {  	_ =	swait.ge [sflag:s17], $0x4000  }
0x96: {  	[sflag:s17] =	ssyncset.done $0x0  }
0x97: {  	s31 =	sadd.s32 $0x1480, s25;
	[sflag:s17] =	ssyncadd.s32 $0xFFFFC000  }
0x98: {  	[spmem:s2] =	stream.indirect.scatter.add.f32 [tilespmem:s15], [sflag:$0x3], $0x80, s31, s13, $0xb8;
	[tilespmem:$0x1E800] =	vst v63  }
0x99: {  	_ =	swait.ge [sflag:s11], $0x4000  }
0x9a: {  	[sflag:s11] =	ssyncset.done $0x0  }
0x9b: {  	[sflag:s11] =	ssyncadd.s32 $0xFFFFC000  }
0x9c: {  	[tilespmem:s15], [sflag:$0x2] =	stream.indirect.gather [hbm4b:s4+s13], $0x80, s18, s13, $0xb8;
	[tilespmem:$0x1E800] =	vst v63  }
0x9d: {  	_ =	swait.ge [sflag:s16], $0x4000  }
0x9e: {  	[sflag:s16] =	ssyncset.done $0x0  }
0x9f: {  	[sflag:s16] =	ssyncadd.s32 $0xFFFFC000  }
0xa0: {  	[spmem:s2] =	stream.indirect.scatter.add.f32 [tilespmem:s14], [sflag:$0x3], $0x80, s19, s13, $0xb8;
	[tilespmem:$0x1E800] =	vst v63  }
0xa1: {  	_ =	swait.ge [sflag:s11], $0x4000  }
0xa2: {  	[sflag:s11] =	ssyncset.done $0x0  }
0xa3: {  	[sflag:s11] =	ssyncadd.s32 $0xFFFFC000  }
0xa4: {  	_ =	swait.ge [sflag:s17], $0x4000  }
0xa5: {  	[sflag:s17] =	ssyncset.done $0x0  }
0xa6: {  	[sflag:s17] =	ssyncadd.s32 $0xFFFFC000  }
0xa7: {  	[spmem:s2] =	stream.indirect.scatter.add.f32 [tilespmem:s15], [sflag:$0x3], $0x80, s20, s13, $0xb8;
	[tilespmem:$0x1E800] =	vst v63  }
0xa8: {  	_ =	swait.ge [sflag:s11], $0x4000  }
0xa9: {  	s24 =	sadd.s32 $0x1, s24;
	[sflag:s11] =	ssyncset.done $0x0  }
0xaa: {  	p0 =	sne.s32 s24, s9;
	[sflag:s11] =	ssyncadd.s32 $0xFFFFC000  }
.Ltmp2:
0xab: {  	[bflag:$0x0] =	sbarrier.arrive $0xFFFF;
	(pc) =	sbr.rel @p0 .LBB2_1-.Ltmp2, $4  }
0xac: {  	[hbm:s23], [sflag:s6] =	dma.local [spmem:s10], $0x2800  }
0xad: {  	_ =	swait.ge [sflag:s11], $0x2800  }
0xae: {  	[sflag:s11] =	ssyncset.done $0x0  }
0xaf: {  	[sflag:s11] =	ssyncadd.s32 $0xFFFFD800  }
0xb0: {  	_ =	sfence.sel $0x180000  }
0xb1: {  	[bflag:$0x0] =	sbarrier.arrive $0xFFFF  }
0xb2: {  	p0 =	sne.s32 s0, $0x0;
	_ =	strace $0x9000004A  }
0xb3: {  	s0 =	sadd.s32 @!p0 $0x100000, s1;
	[bflag:$0x2] =	sbarrier.arrive $0xFFFF  }
0xb4: {  	[sflag:s0] =	ssyncadd.tile.s32 @!p0 $0x1;
	_ =	shalt  }
.Lfunc_end2:
_tile_overlayer_lowered:
.L_overlay_start_2:
0xb5: {  	(tag) =	ssettag $0x2  }
0xb6: {  	s0 =	rddreg [dreg:$0x0];
	s2 =	stileid.u32  }
0xb7: {  	s1 =	rddreg [dreg:$0x1];
	p0 =	sne.s32 s2, $0x0  }
0xb8: {  	s3 =	rddreg [dreg:$0x2];
	[bflag:$0x3] =	sbarrier.arrive $0xFFFF;
	s2 =	simm.s32 @!p0 $0x1C03  }
0xb9: {  	[timem:s3], [sflag:s2] =	dma.local @!p0 [hbm:s0], s1  }
0xba: {  	s0 =	simm.s32 @!p0 $0x3  }
0xbb: {  	_ =	swait.ge @!p0 [sflag:s0], s1  }
0xbc: {  	s1 =	ssub.s32 @!p0 $0x0, s1;
	[sflag:s0] =	ssyncset.done @!p0 $0x0  }
0xbd: {  	[sflag:s0] =	ssyncadd.s32 @!p0 s1  }
0xbe: {  	[bflag:$0x3] =	sbarrier.arrive $0xFFFF  }
0xbf: {  	_ =	shalt  }

// kernel: kernel.8.cloned.1.call-start
scs
__scs_entry_jumppad:
0x0: {  	(pc) =	sbr.rel $0x88, $3  }
0x1: {  	(tag) =	ssettag $0x0;
	lr =	simm.s32 $0x1  }
0x2: {  	[smem:$0x3F90] =	sst lr;
	_ =	strace $0xD0000000  }
0x3: {  	_ = 	snop  }
0x4: {  	_ = 	snop  }
0x5: {  	_ = 	snop  }
0x6: {  	_ = 	snop  }
0x7: {  	_ = 	snop  }
__scs_overlays_trampoline_lowered:
0x8: {  	[smem:$0x3F9F] =	sst s0  }
0x9: {  	[smem:$0x3FA0] =	sst s1  }
0xa: {  	[smem:$0x3FA1] =	sst s2  }
0xb: {  	[smem:$0x3FA2] =	sst s3  }
0xc: {  	[smem:$0x3FA3] =	sst s4  }
0xd: {  	[smem:$0x3FA4] =	sst s5  }
0xe: {  	[smem:$0x3FA5] =	sst s6  }
0xf: {  	[smem:$0x3FA6] =	sst s7  }
0x10: {  	[smem:$0x3FA7] =	sst s8  }
0x11: {  	[smem:$0x3FA8] =	sst s9;
	s0 =	simm.s32 @!p0 $0x0  }
0x12: {  	s1 =	sld [smem:$0x3F8E];
	s0 =	simm.s32 @p0 $0x1  }
0x13: {  	[smem:$0x3FA9] =	sst s0;
	s0 =	simm.s32 @!p1 $0x0  }
0x14: {  	s2 =	sld [smem:$0x3F8D];
	s0 =	simm.s32 @p1 $0x1  }
0x15: {  	[smem:$0x3FAA] =	sst s0;
	s0 =	simm.s32 @!p2 $0x0  }
0x16: {  	s3 =	sld [smem:$0x3FDB];
	s0 =	simm.s32 @p2 $0x1  }
0x17: {  	s4 =	simm.s32 $0x1BF5;
	[smem:$0x3FAC] =	sst s0  }
0x18: {  	s0 =	sld [smem:$0x3F8F];
	_ =	swait.ge [sflag:s4], $0x0  }
0x19: {  	s7 =	sld [smem:$0x3F90]  }
0x1a: {  	s8 =	sadd.s32 $0xFFFFE003, lr  }
0x1b: {  	s9 =	sadd.s32 $0xFFFFFEF7, lr;
	s5 =	simm.s32 $0xFFFFFFFF;
	p2 =	slt.u32 s8, $0xFFFFF086  }
0x1c: {  	p1 =	slt.u32 s9, $0xF7A;
	s5 =	simm.s32 @!p2 $0x0  }
0x1d: {  	s5 =	simm.s32 @p1 $0x1;
	p0 =	seq.s32 s7, s2  }
0x1e: {  	s7 =	smul.u32 @!p0 $0xF7A, s2;
	p2 =	seq.s32 @!p0 s5, $0x0  }
0x1f: {  	s9 =	smul.u32 $0xF7A, s1;
	s8 =	simm.s32 @!p0 $0x1BF5;
	p2 =	por !p2, p0  }
0x20: {  	[sflag:s8] =	ssyncset.s32 @!p0 $0xFFFFF086;
	s6 =	sadd.s32 @!p0 s3, s7;
	s7 =	simm.s32 @!p0 $0x108  }
0x21: {  	s3 =	sadd.s32 s3, s9;
	s6 =	sadd.s32 @!p0 $0x88, s6;
	s7 =	simm.s32 @p2 $0x1082  }
0x22: {  	[simem:s7], [sflag:s8] =	dma.local @!p0 [hbm:s6], $0xF7A  }
0x23: {  	s9 =	sor.u32 $0xD0000000, s2;
	s6 =	simm.s32 $0x108;
	_ =	swait.ge @!p0 [sflag:s8], $0x0  }
0x24: {  	s3 =	sadd.s32 $0x88, s3;
	s6 =	simm.s32 @!p1 $0x1082;
	[sflag:s4] =	ssyncset.s32 $0xFFFFF086  }
0x25: {  	[simem:s6], [sflag:s4] =	dma.local [hbm:s3], $0xF7A  }
0x26: {  	[smem:$0x3F90] =	sst s1;
	(tag) =	ssettag s2;
	_ =	strace s9  }
0x27: {  	s1 =	sld [smem:$0x3FA0]  }
0x28: {  	s2 =	sld [smem:$0x3FA1]  }
0x29: {  	s4 =	sld [smem:$0x3FA3]  }
0x2a: {  	p0 =	seq.s32 s5, $0x0;
	s5 =	sld [smem:$0x3FA4]  }
0x2b: {  	s6 =	sld [smem:$0x3FA5]  }
0x2c: {  	s7 =	sld [smem:$0x3FA6]  }
0x2d: {  	s3 =	simm.s32 $0x108;
	s8 =	sld [smem:$0x3FA7]  }
0x2e: {  	s3 =	simm.s32 @!p0 $0x1082;
	s9 =	sld [smem:$0x3FA8]  }
0x2f: {  	lr =	sadd.s32 s0, s3;
	s0 =	sld [smem:$0x3F9F]  }
0x30: {  	s3 =	sld [smem:$0x3FA2]  }
0x31: {  	[smem:$0x3FAB] =	sst s10  }
0x32: {  	s10 =	sld [smem:$0x3FA9];
	_ =	sdelay $0x3  }
0x33: {  	p0 =	seq.s32 s10, $0x1;
	s10 =	sld [smem:$0x3FAB];
	_ =	sdelay $0x3  }
0x34: {  	[smem:$0x3FAB] =	sst s10  }
0x35: {  	s10 =	sld [smem:$0x3FAA];
	_ =	sdelay $0x3  }
0x36: {  	p1 =	seq.s32 s10, $0x1;
	s10 =	sld [smem:$0x3FAB];
	_ =	sdelay $0x3  }
0x37: {  	[smem:$0x3FAB] =	sst s10  }
0x38: {  	s10 =	sld [smem:$0x3FAC]  }
0x39: {  	_ = 	snop;
	(pc) =	sbr.ind lr, $3  }
0x3a: {  	_ = 	snop  }
0x3b: {  	_ = 	snop  }
0x3c: {  	p2 =	seq.s32 s10, $0x1;
	s10 =	sld [smem:$0x3FAB]  }
0x3d: {  	_ =	shalt  }
0x3e: {  	_ =	shalt  }
0x3f: {  	_ =	shalt  }
0x40: {  	_ =	shalt  }
0x41: {  	_ =	shalt  }
0x42: {  	_ =	shalt  }
0x43: {  	_ =	shalt  }
0x44: {  	_ =	shalt  }
0x45: {  	_ =	shalt  }
0x46: {  	_ =	shalt  }
0x47: {  	_ =	shalt  }
0x48: {  	_ =	shalt  }
0x49: {  	_ =	shalt  }
0x4a: {  	_ =	shalt  }
0x4b: {  	_ =	shalt  }
0x4c: {  	_ =	shalt  }
0x4d: {  	_ =	shalt  }
0x4e: {  	_ =	shalt  }
0x4f: {  	_ =	shalt  }
0x50: {  	_ =	shalt  }
0x51: {  	_ =	shalt  }
0x52: {  	_ =	shalt  }
0x53: {  	_ =	shalt  }
0x54: {  	_ =	shalt  }
0x55: {  	_ =	shalt  }
0x56: {  	_ =	shalt  }
0x57: {  	_ =	shalt  }
0x58: {  	_ =	shalt  }
0x59: {  	_ =	shalt  }
0x5a: {  	_ =	shalt  }
0x5b: {  	_ =	shalt  }
0x5c: {  	_ =	shalt  }
0x5d: {  	_ =	shalt  }
0x5e: {  	_ =	shalt  }
0x5f: {  	_ =	shalt  }
0x60: {  	_ =	shalt  }
0x61: {  	_ =	shalt  }
0x62: {  	_ =	shalt  }
0x63: {  	_ =	shalt  }
0x64: {  	_ =	shalt  }
0x65: {  	_ =	shalt  }
0x66: {  	_ =	shalt  }
0x67: {  	_ =	shalt  }
0x68: {  	_ =	shalt  }
0x69: {  	_ =	shalt  }
0x6a: {  	_ =	shalt  }
0x6b: {  	_ =	shalt  }
0x6c: {  	_ =	shalt  }
0x6d: {  	_ =	shalt  }
0x6e: {  	_ =	shalt  }
0x6f: {  	_ =	shalt  }
0x70: {  	_ =	shalt  }
0x71: {  	_ =	shalt  }
0x72: {  	_ =	shalt  }
0x73: {  	_ =	shalt  }
0x74: {  	_ =	shalt  }
0x75: {  	_ =	shalt  }
0x76: {  	_ =	shalt  }
0x77: {  	_ =	shalt  }
0x78: {  	_ =	shalt  }
0x79: {  	_ =	shalt  }
0x7a: {  	_ =	shalt  }
0x7b: {  	_ =	shalt  }
0x7c: {  	_ =	shalt  }
0x7d: {  	_ =	shalt  }
0x7e: {  	_ =	shalt  }
0x7f: {  	_ =	shalt  }
0x80: {  	_ =	shalt  }
0x81: {  	_ =	shalt  }
0x82: {  	_ =	shalt  }
0x83: {  	_ =	shalt  }
0x84: {  	_ =	shalt  }
0x85: {  	_ =	shalt  }
0x86: {  	_ =	shalt  }
0x87: {  	_ =	shalt  }
.Lfunc_end0:
.L_simem_size_0:
called_computation_lowered:
.L_overlay_start_0:
0x88: {  	s2 =	sld [smem:$0x3FD9]  }
0x89: {  	s3 =	sld [smem:$0x3FFE];
	_ =	sdelay $0x1  }
0x8a: {  	s1 =	srdreg.scid  }
0x8b: {  	s0 =	sand.u32 $0x1, s1  }
0x8c: {  	s17 =	sshll.u32 s0, $0xA;
	s2 =	sadd.s32 s3, s2  }
0x8d: {  	s2 =	sadd.s32 s2, s17  }
0x8e: {  	[smem:$0x3FB7] =	sst s2  }
0x8f: {  	_ = 	snop  }
0x90: {  	s2 =	sld [smem:$0x3FD0];
	(tm) =	ssettm $0x1  }
0x91: {  	s18 =	sld [smem:$0x3FFB];
	_ =	sdelay $0x3  }
0x92: {  	_ =	strace s18  }
0x93: {  	s3 =	sld [smem:$0x3FFC];
	_ =	sdelay $0x3  }
0x94: {  	_ =	strace s3  }
0x95: {  	s3 =	sld [smem:$0x3FFD];
	_ =	sdelay $0x3  }
0x96: {  	_ =	strace s3  }
0x97: {  	_ =	strace $0x8FFFFFFF  }
0x98: {  	s19 =	sld [smem:$0x3FDB];
	_ =	sdelay $0x1  }
0x99: {  	s4 =	simm.s32 $_scs_section_size  }
0x9a: {  	s5 =	simm.s32 $_size__tile_overlayer_lowered;
	s6 =	simm.s32 $_tile_overlayer_lowered  }
0x9b: {  	s22 =	simm.s32 $0x1BFF;
	s21 =	sshll.u32 s6, $0x1;
	s3 =	sadd.s32 s4, s19  }
0x9c: {  	s7 =	simm.s32 $0x0;
	s20 =	sshll.u32 s5, $0x1;
	s5 =	sadd.s32 s21, s3  }
0x9d: {  	[timem:s7], [sflag:s22] =	dma.local [hbm:s5], s20  }
0x9e: {  	_ =	swait.ge [sflag:s22], s20  }
0x9f: {  	s4 =	ssub.s32 $0x0, s20;
	[sflag:s22] =	ssyncset.done $0x0  }
0xa0: {  	[sflag:s22] =	ssyncadd.s32 s4;
	_ =	sdelay $0x1  }
0xa1: {  	s23 =	simm.s32 $0x1B8B  }
0xa2: {  	_ =	swait.ge [sflag:s23], $0x1  }
0xa3: {  	[sflag:s23] =	ssyncset.done $0x0  }
0xa4: {  	s25 =	simm.s32 $0x1B8E;
	s24 =	sld [smem:$0x3FFE];
	[sflag:s23] =	ssyncadd.s32 $0xFFFFFFFF  }
0xa5: {  	s26 =	simm.s32 $execute0_lowered;
	[smem:$0x3FD2] =	sst s25  }
0xa6: {  	s5 =	sshll.u32 s26, $0x1;
	_ =	strace $0x80000046;
	[dreg:$0x1] =	wrdreg $0xFFFFFFFF  }
0xa7: {  	s28 =	simm.s32 $_size_execute0_lowered;
	s3 =	sadd.s32 s3, s5;
	[dreg:$0x0] =	wrdreg $0x0  }
0xa8: {  	s5 =	sshll.u32 s28, $0x1;
	[dreg:$0x2] =	wrdreg s3  }
0xa9: {  	[dreg:$0x3] =	wrdreg s5  }
0xaa: {  	[dreg:$0x4] =	wrdreg $0xC0  }
0xab: {  	_ =	task [dreg:s7], $0x5FFFF  }
0xac: {  	[dreg:$0x1] =	wrdreg $0xFFFFFFFF  }
0xad: {  	[dreg:$0x0] =	wrdreg $0x60  }
0xae: {  	[dreg:$0x2] =	wrdreg s24  }
0xaf: {  	[dreg:$0x3] =	wrdreg s2  }
0xb0: {  	[dreg:$0x4] =	wrdreg $0xA8000  }
0xb1: {  	[dreg:$0x5] =	wrdreg $0x9  }
0xb2: {  	_ =	task.clear_ibuf [dreg:s7], $0x6FFFF;
	_ =	strace $0x90000046  }
0xb3: {  	s29 =	simm.s32 $0x9;
	_ =	strace $0x80000048  }
0xb4: {  	_ =	swait.ge [sflag:s29], $0x1  }
0xb5: {  	[sflag:s29] =	ssyncadd.s32 $0xFFFFFFFF  }
0xb6: {  	_ =	strace $0x90000048  }
0xb7: {  	_ =	sfence  }
0xb8: {  	s30 =	sld [smem:$0x0];
	_ =	sdelay $0x2  }
0xb9: {  	s31 =	sshll.u32 s1, $0xD;
	s1 =	sshrl.u32 s1, $0x2  }
0xba: {  	s3 =	sand.u32 $0x4000, s31;
	s1 =	sadd.s32 s1, s30  }
0xbb: {  	s0 =	sor.u32 s3, s0;
	s1 =	sshll.u32 s1, $0x11  }
0xbc: {  	s0 =	sor.u32 s1, s0  }
0xbd: {  	s0 =	sadd.s32 $0x8F2B, s0  }
0xbe: {  	[sflag:s0] =	ssyncadd.remote.s32 $0x1  }
0xbf: {  	_ =	sfence.sel $0xFFFF  }
0xc0: {  	[dreg:$0x0] =	wrdreg $0xFFFFFFFF;
	(pc) =	sbr.abs _section_cstart, $3  }
0xc1: {  	[dreg:$0x1] =	wrdreg $0xFFFFFFFF  }
0xc2: {  	_ =	task.clear_ibuf [dreg:s7], $0x2FFFF;
	_ =	strace $0x9FFFFFFF  }
0xc3: {  	(tm) =	ssettm $0x7FFFFFFF  }
tec
execute0_lowered:
.L_overlay_start_1:
0x0: {  	(tag) =	ssettag $0x1  }
0x1: {  	s4 =	rddreg [dreg:$0x0]  }
0x2: {  	s5 =	rddreg [dreg:$0x1]  }
0x3: {  	s2 =	rddreg [dreg:$0x2]  }
0x4: {  	s0 =	rddreg [dreg:$0x3];
	s3 =	simm.s32 $0x0;
	s1 =	stileid.u32  }
0x5: {  	s6 =	srdreg.scid;
	s18 =	simm.s32 $0x2;
	s21 =	smul.u32 $0x2800, s1  }
0x6: {  	s19 =	simm.s32 $0x2700;
	s20 =	simm.s32 $0x2780;
	s12 =	smul.u32 $0x50000, s1  }
0x7: {  	s6 =	sand.u32 $0x1, s6;
	s7 =	sshll.u32 s1, $0x1;
	s25 =	smul.u32 $0x280000, s1  }
0x8: {  	[smem:$0x7FF] =	sst s3;
	s10 =	sadd.s32 $0x9EEA00, s4;
	s9 =	smul.u32 $0x28000, s6  }
0x9: {  	s31 =	sshll.u32 s1, $0x6;
	s7 =	sor.u32 s6, s7;
	s16 =	smul.u32 $0x140000, s6  }
0xa: {  	_ =	strace $0x80000047;
	s11 =	ssub.s32 $0x2, s6;
	s8 =	smul.u32 $0x2800, s7  }
0xb: {  	s13 =	sadd.s32 s21, s4;
	s14 =	sshrl.u32 s11, $0x1;
	s7 =	smul.u32 $0x28000, s7  }
0xc: {  	s28 =	sshrl.u32 s12, $0x2;
	s12 =	sadd.s32 s12, s10;
	s15 =	sadd.s32 s9, s4  }
0xd: {  	s11 =	ssub.s32 s11, s14;
	s17 =	sadd.s32 s28, s2;
	s29 =	sadd.s32 s16, s25  }
0xe: {  	s12 =	sadd.s32 s9, s12;
	s14 =	simm.s32 $0x2800;
	s16 =	simm.s32 $0x1  }
0xf: {  	s26 =	sshrl.u32 s8, $0x3;
	s6 =	sadd.s32 s10, s7;
	s22 =	sadd.s32 $0x2AC00, s15  }
0x10: {  	s7 =	smax.u32 s11, $0x1;
	s30 =	sor.u32 $0x8000, s29;
	s15 =	simm.s32 $0x6800  }
0x11: {  	s4 =	sadd.s32 s5, s26;
	s5 =	sadd.s32 $0x2C00, s13;
	s8 =	sadd.s32 $0x27800, s6  }
0x12: {  	s11 =	sshrl.u32 s30, $0x3;
	s13 =	sshrl.u32 s17, $0x3;
	s17 =	simm.s32 $0x80  }
0x13: {  	s21 =	sadd.s32 s21, s22;
	s22 =	simm.s32 $0x0;
	s9 =	sadd.s32 s11, s10  }
0x14: {  	s10 =	sadd.s32 $0x800, s12;
	s11 =	simm.s32 $0x3;
	s12 =	sor.u32 $0x1C03, s31  }
.LBB2_1:
0x15: {  	[tilespmem:s3], [sflag:$0x3] =	stream.linear.gather [hbm4b:s4+s3], $0x2800, $0x38;
	[tilespmem:$0x1E800] =	vst v63  }
0x16: {  	_ =	swait.ge [sflag:s11], $0x2800  }
0x17: {  	[sflag:s11] =	ssyncset.done $0x0  }
0x18: {  	[sflag:s11] =	ssyncadd.s32 $0xFFFFD800  }
0x19: {  	[spmem:s13], [sflag:s12] =	dma.local [hbm:s5], $0x2800  }
0x1a: {  	_ =	swait.ge [sflag:s11], $0x2800  }
0x1b: {  	[sflag:s11] =	ssyncset.done $0x0  }
0x1c: {  	[sflag:s11] =	ssyncadd.s32 $0xFFFFD800  }
0x1d: {  	[bflag:$0x0] =	sbarrier.arrive $0xFFFF  }
0x1e: {  	[tilespmem:s14], [sflag:$0x1] =	stream.linear.gather [hbm4b:s6+s3], $0x4000, $0x38;
	[tilespmem:$0x1E800] =	vst v63  }
0x1f: {  	s23 =	sadd.s32 $0x0, s10  }
0x20: {  	[tilespmem:s15], [sflag:$0x2] =	stream.linear.gather [hbm4b:s23+s3], $0x4000, $0x38;
	[tilespmem:$0x1E800] =	vst v63  }
0x21: {  	_ =	swait.ge [sflag:s16], $0x4000  }
0x22: {  	[sflag:s16] =	ssyncset.done $0x0  }
0x23: {  	[sflag:s16] =	ssyncadd.s32 $0xFFFFC000  }
0x24: {  	[spmem:s2] =	stream.indirect.scatter.add.f32 [tilespmem:s14], [sflag:$0x3], $0x80, s3, s17, $0xb8;
	[tilespmem:$0x1E800] =	vst v63  }
0x25: {  	_ =	swait.ge [sflag:s11], $0x4000  }
0x26: {  	[sflag:s11] =	ssyncset.done $0x0  }
0x27: {  	s30 =	sadd.s32 $0x0, s9;
	[sflag:s11] =	ssyncadd.s32 $0xFFFFC000  }
0x28: {  	[tilespmem:s14], [sflag:$0x1] =	stream.linear.gather [hbm4b:s30+s3], $0x4000, $0x38;
	[tilespmem:$0x1E800] =	vst v63  }
0x29: {  	_ =	swait.ge [sflag:s18], $0x4000  }
0x2a: {  	[sflag:s18] =	ssyncset.done $0x0  }
0x2b: {  	s31 =	simm.s32 $0x80;
	[sflag:s18] =	ssyncadd.s32 $0xFFFFC000  }
0x2c: {  	[spmem:s2] =	stream.indirect.scatter.add.f32 [tilespmem:s15], [sflag:$0x3], $0x80, s31, s17, $0xb8;
	[tilespmem:$0x1E800] =	vst v63  }
0x2d: {  	s24 =	simm.s32 $0x1000;
	_ =	swait.ge [sflag:s11], $0x4000  }
0x2e: {  	s25 =	simm.s32 $0x2000;
	s23 =	simm.s32 $0x100;
	[sflag:s11] =	ssyncset.done $0x0  }
.LBB2_2:
0x2f: {  	s26 =	sadd.s32 s24, s10  }
0x30: {  	[sflag:s11] =	ssyncadd.s32 $0xFFFFC000;
	s28 =	smov.u32 s25;
	s29 =	sadd.s32 $0x1000, s25  }
0x31: {  	[tilespmem:s15], [sflag:$0x2] =	stream.linear.gather [hbm4b:s26+s3], $0x4000, $0x38;
	[tilespmem:$0x1E800] =	vst v63  }
0x32: {  	p0 =	sne.s32 s25, $0x26000;
	_ =	swait.ge [sflag:s16], $0x4000  }
0x33: {  	[sflag:s16] =	ssyncset.done $0x0  }
0x34: {  	[sflag:s16] =	ssyncadd.s32 $0xFFFFC000  }
0x35: {  	[spmem:s2] =	stream.indirect.scatter.add.f32 [tilespmem:s14], [sflag:$0x3], $0x80, s23, s17, $0xb8;
	[tilespmem:$0x1E800] =	vst v63  }
0x36: {  	_ =	swait.ge [sflag:s11], $0x4000  }
0x37: {  	[sflag:s11] =	ssyncset.done $0x0  }
0x38: {  	s25 =	sadd.s32 s24, s9;
	s24 =	smov.u32 s28;
	[sflag:s11] =	ssyncadd.s32 $0xFFFFC000  }
0x39: {  	[tilespmem:s14], [sflag:$0x1] =	stream.linear.gather [hbm4b:s25+s3], $0x4000, $0x38;
	[tilespmem:$0x1E800] =	vst v63  }
0x3a: {  	_ =	swait.ge [sflag:s18], $0x4000  }
.Ltmp0:
0x3b: {  	[sflag:s18] =	ssyncset.done $0x0;
	(pc) =	sbr.rel @p0 .LBB2_2-.Ltmp0, $4  }
0x3c: {  	s25 =	sadd.s32 $0x80, s23;
	[sflag:s18] =	ssyncadd.s32 $0xFFFFC000  }
0x3d: {  	[spmem:s2] =	stream.indirect.scatter.add.f32 [tilespmem:s15], [sflag:$0x3], $0x80, s25, s17, $0xb8;
	[tilespmem:$0x1E800] =	vst v63  }
0x3e: {  	_ =	swait.ge [sflag:s11], $0x4000  }
0x3f: {  	s23 =	sadd.s32 $0x100, s23;
	s25 =	smov.u32 s29;
	[sflag:s11] =	ssyncset.done $0x0  }
0x40: {  	s25 =	sadd.s32 s24, s10;
	[sflag:s11] =	ssyncadd.s32 $0xFFFFC000  }
0x41: {  	[tilespmem:s15], [sflag:$0x2] =	stream.linear.gather [hbm4b:s25+s3], $0x4000, $0x38;
	[tilespmem:$0x1E800] =	vst v63  }
0x42: {  	_ =	swait.ge [sflag:s16], $0x4000  }
0x43: {  	[sflag:s16] =	ssyncset.done $0x0  }
0x44: {  	[sflag:s16] =	ssyncadd.s32 $0xFFFFC000  }
0x45: {  	[spmem:s2] =	stream.indirect.scatter.add.f32 [tilespmem:s14], [sflag:$0x3], $0x80, s23, s17, $0xb8;
	[tilespmem:$0x1E800] =	vst v63  }
0x46: {  	_ =	swait.ge [sflag:s11], $0x4000  }
0x47: {  	[sflag:s11] =	ssyncset.done $0x0  }
0x48: {  	s30 =	sadd.s32 s24, s9;
	[sflag:s11] =	ssyncadd.s32 $0xFFFFC000  }
0x49: {  	[tilespmem:s14], [sflag:$0x1] =	stream.linear.gather [hbm4b:s30+s3], $0x4000, $0x38;
	[tilespmem:$0x1E800] =	vst v63  }
0x4a: {  	_ =	swait.ge [sflag:s18], $0x4000  }
0x4b: {  	[sflag:s18] =	ssyncset.done $0x0  }
0x4c: {  	s31 =	sadd.s32 $0x80, s23;
	[sflag:s18] =	ssyncadd.s32 $0xFFFFC000  }
0x4d: {  	[spmem:s2] =	stream.indirect.scatter.add.f32 [tilespmem:s15], [sflag:$0x3], $0x80, s31, s17, $0xb8;
	[tilespmem:$0x1E800] =	vst v63  }
0x4e: {  	_ =	swait.ge [sflag:s11], $0x4000  }
0x4f: {  	[sflag:s11] =	ssyncset.done $0x0  }
0x50: {  	[sflag:s11] =	ssyncadd.s32 $0xFFFFC000  }
0x51: {  	[tilespmem:s15], [sflag:$0x2] =	stream.linear.gather [hbm4b:s8+s3], $0x4000, $0x38;
	[tilespmem:$0x1E800] =	vst v63  }
0x52: {  	_ =	swait.ge [sflag:s16], $0x4000  }
0x53: {  	[sflag:s16] =	ssyncset.done $0x0  }
0x54: {  	[sflag:s16] =	ssyncadd.s32 $0xFFFFC000  }
0x55: {  	[spmem:s2] =	stream.indirect.scatter.add.f32 [tilespmem:s14], [sflag:$0x3], $0x80, s19, s17, $0xb8;
	[tilespmem:$0x1E800] =	vst v63  }
0x56: {  	_ =	swait.ge [sflag:s11], $0x4000  }
0x57: {  	[sflag:s11] =	ssyncset.done $0x0  }
0x58: {  	[sflag:s11] =	ssyncadd.s32 $0xFFFFC000  }
0x59: {  	_ =	swait.ge [sflag:s18], $0x4000  }
0x5a: {  	[sflag:s18] =	ssyncset.done $0x0  }
0x5b: {  	[sflag:s18] =	ssyncadd.s32 $0xFFFFC000  }
0x5c: {  	[spmem:s2] =	stream.indirect.scatter.add.f32 [tilespmem:s15], [sflag:$0x3], $0x80, s20, s17, $0xb8;
	[tilespmem:$0x1E800] =	vst v63  }
0x5d: {  	_ =	swait.ge [sflag:s11], $0x4000  }
0x5e: {  	s22 =	sadd.s32 $0x1, s22;
	[sflag:s11] =	ssyncset.done $0x0  }
0x5f: {  	p0 =	sne.s32 s22, s7;
	[sflag:s11] =	ssyncadd.s32 $0xFFFFC000  }
.Ltmp1:
0x60: {  	[bflag:$0x0] =	sbarrier.arrive $0xFFFF;
	(pc) =	sbr.rel @p0 .LBB2_1-.Ltmp1, $4  }
0x61: {  	[hbm:s21], [sflag:s12] =	dma.local [spmem:s13], $0x2800  }
0x62: {  	_ =	swait.ge [sflag:s11], $0x2800  }
0x63: {  	[sflag:s11] =	ssyncset.done $0x0  }
0x64: {  	[sflag:s11] =	ssyncadd.s32 $0xFFFFD800  }
0x65: {  	_ =	sfence.sel $0x180000  }
0x66: {  	[bflag:$0x0] =	sbarrier.arrive $0xFFFF  }
0x67: {  	p0 =	sne.s32 s1, $0x0;
	_ =	strace $0x90000047  }
0x68: {  	s0 =	sadd.s32 @!p0 $0x100000, s0;
	[bflag:$0x2] =	sbarrier.arrive $0xFFFF  }
0x69: {  	[sflag:s0] =	ssyncadd.tile.s32 @!p0 $0x1;
	_ =	shalt  }
.Lfunc_end2:
_tile_overlayer_lowered:
.L_overlay_start_2:
0x6a: {  	(tag) =	ssettag $0x2  }
0x6b: {  	s0 =	rddreg [dreg:$0x0];
	s2 =	stileid.u32  }
0x6c: {  	s1 =	rddreg [dreg:$0x1];
	p0 =	sne.s32 s2, $0x0  }
0x6d: {  	s3 =	rddreg [dreg:$0x2];
	[bflag:$0x3] =	sbarrier.arrive $0xFFFF;
	s2 =	simm.s32 @!p0 $0x1C03  }
0x6e: {  	[timem:s3], [sflag:s2] =	dma.local @!p0 [hbm:s0], s1  }
0x6f: {  	s0 =	simm.s32 @!p0 $0x3  }
0x70: {  	_ =	swait.ge @!p0 [sflag:s0], s1  }
0x71: {  	s1 =	ssub.s32 @!p0 $0x0, s1;
	[sflag:s0] =	ssyncset.done @!p0 $0x0  }
0x72: {  	[sflag:s0] =	ssyncadd.s32 @!p0 s1  }
0x73: {  	[bflag:$0x3] =	sbarrier.arrive $0xFFFF  }
0x74: {  	_ =	shalt  }

</sc_bundles>
